<compile_context>
chip_gen: v7x
topology: tpu7x:2x2x1
jax: 0.10.2.dev20260603
libtpu: 0.0.44.dev20260713+nightly
codegen_flags: <defaults>
</compile_context>

<pallas_src>
import functools

import jax
import jax.numpy as jnp
from jax import lax
from jax.experimental import pallas as pl
from jax.experimental.pallas import tpu as pltpu
from jax.experimental.pallas import tpu_sc as plsc

MEM_NUM = 8192
MEM_DIM = 256


def _logits_body(q_ref, mem_ref, out_ref):
    dims = (((1,), (1,)), ((), ()))
    out_ref[0] = lax.dot_general(q_ref[0], mem_ref[...], dims,
                                 preferred_element_type=jnp.float32)


def _logits_call(q3, mem):
    b, t, _ = q3.shape
    return pl.pallas_call(
        _logits_body,
        grid=(b,),
        in_specs=[
            pl.BlockSpec((1, t, MEM_DIM), lambda i: (i, 0, 0)),
            pl.BlockSpec((MEM_NUM, MEM_DIM), lambda i: (0, 0)),
        ],
        out_specs=pl.BlockSpec((1, t, MEM_NUM), lambda i: (i, 0, 0)),
        out_shape=jax.ShapeDtypeStruct((b, t, MEM_NUM), jnp.float32),
    )(q3, mem)


def _make_gather(rows):
    info = plsc.get_sparse_core_info()
    nw = info.num_cores * info.num_subcores
    b_per_w = rows // nw
    chunk = 56
    assert b_per_w % chunk == 0
    n_chunks = b_per_w // chunk
    mesh = plsc.VectorSubcoreMesh(core_axis_name="c", subcore_axis_name="s")

    @functools.partial(
        pl.kernel,
        out_type=[
            jax.ShapeDtypeStruct((rows, MEM_DIM), jnp.float32),
            jax.ShapeDtypeStruct((rows, MEM_DIM), jnp.float32),
        ],
        mesh=mesh,
        scratch_types=[
            pltpu.VMEM((chunk,), jnp.int32),
            pltpu.VMEM((chunk, MEM_DIM), jnp.float32),
            pltpu.SemaphoreType.DMA,
        ],
    )
    def gather2(mem_hbm, idx0_hbm, idx1_hbm, pos_hbm, neg_hbm, idx_v, rows_v, sem):
        wid = lax.axis_index("s") * info.num_cores + lax.axis_index("c")
        base = wid * b_per_w
        for c in range(n_chunks):
            off = base + c * chunk
            pltpu.sync_copy(idx0_hbm.at[pl.ds(off, chunk)], idx_v)
            pltpu.async_copy(mem_hbm.at[idx_v], rows_v, sem).wait()
            pltpu.sync_copy(rows_v, pos_hbm.at[pl.ds(off, chunk)])
            pltpu.sync_copy(idx1_hbm.at[pl.ds(off, chunk)], idx_v)
            pltpu.async_copy(mem_hbm.at[idx_v], rows_v, sem).wait()
            pltpu.sync_copy(rows_v, neg_hbm.at[pl.ds(off, chunk)])

    return gather2


def _fuse_body(v1_ref, v2_ref, out_ref):
    out_ref[...] = 0.7 * v1_ref[...] + (1.0 - 0.7) * v2_ref[...]


def _fuse_call(v1, v2):
    b, t, _ = v1.shape
    return pl.pallas_call(
        _fuse_body,
        grid=(b,),
        in_specs=[
            pl.BlockSpec((1, t, MEM_DIM), lambda i: (i, 0, 0)),
            pl.BlockSpec((1, t, MEM_DIM), lambda i: (i, 0, 0)),
        ],
        out_specs=pl.BlockSpec((1, t, MEM_DIM), lambda i: (i, 0, 0)),
        out_shape=jax.ShapeDtypeStruct(v1.shape, jnp.float32),
    )(v1, v2)


def kernel(x, Memory):
    shp = x.shape
    rows = shp[0] * shp[1]
    l1 = jnp.matmul(x, Memory.T)
    a1 = jax.nn.softmax(l1, axis=-1)
    v1 = jnp.matmul(a1, Memory)
    l2 = jnp.matmul(v1, Memory.T)
    a2 = jax.nn.softmax(l2, axis=-1)
    v2 = jnp.matmul(a2, Memory)
    _, ind = jax.lax.top_k(a2, 2)
    x_aug = _fuse_call(v1, v2)
    pos, neg = _make_gather(rows)(
        Memory, ind[..., 0].reshape(rows), ind[..., 1].reshape(rows))
    return (
        x_aug,
        x,
        pos.reshape(shp),
        neg.reshape(shp),
        neg.reshape(shp),
    )

# --- scband reference (transcript-rebuilt; emitter-appended) ---
"""Pipeline reference for scband-memory-augmented-90915867721796 (READ-ONLY COPY).

The authoritative reference and input builder live on the scoring server;
editing this copy changes nothing except your own understanding.
"""

import jax, jax.numpy as jnp
import numpy as np

MEM_NUM = 8192
MEM_DIM = 256
LOOP_TIMES = 2
FUSION_FACTOR = 0.7

def _xavier_normal(key, shape):
    fan_in, fan_out = shape[1], shape[0]
    std = (2.0 / (fan_in + fan_out)) ** 0.5
    return jax.random.normal(key, shape, dtype=jnp.float32) * std

def setup_inputs(seed: int = 0) -> dict:
    key = jax.random.key(seed)
    k1, k2 = jax.random.split(key)
    x = jax.random.normal(k1, (64, 196, MEM_DIM), dtype=jnp.float32)
    Memory = _xavier_normal(k2, (MEM_NUM, MEM_DIM))
    return {"x": x, "Memory": Memory}

def reference(x, Memory):
    query = x
    value_list = [query]
    att_score_list = []
    for i in range(LOOP_TIMES):
        att_score = jax.nn.softmax(jnp.matmul(value_list[i], Memory.T), axis=-1)
        value = jnp.matmul(att_score, Memory)
        value_list.append(value)
        att_score_list.append(att_score)
    _, ind = jax.lax.top_k(att_score_list[-1], 2)
    pos = jnp.take(Memory, ind[..., 0], axis=0)
    neg1 = jnp.take(Memory, ind[..., 1], axis=0)
    neg2 = jnp.take(Memory, ind[..., 1], axis=0)
    x_aug = FUSION_FACTOR * value_list[1] + (1.0 - FUSION_FACTOR) * value_list[2]
    return (x_aug, query, pos, neg1, neg2)

if __name__ == "__main__":
    import jax
    _d = setup_inputs()
    print(jax.jit(kernel)(*tuple(_d.values())))

</pallas_src>

<mosaic_0001>
#map = affine_map<(d0, d1) -> (0, 0)>
#map1 = affine_map<(d0, d1) -> (0)>
module attributes {stable_mosaic.version = 14 : i64} {
  func.func @gather2(%arg0: i32, %arg1: i32, %arg2: memref<8192x256xf32, #tpu.memory_space<hbm>>, %arg3: memref<12544xi32, #tpu.memory_space<hbm>>, %arg4: memref<12544xi32, #tpu.memory_space<hbm>>, %arg5: memref<12544x256xf32, #tpu.memory_space<hbm>>, %arg6: memref<12544x256xf32, #tpu.memory_space<hbm>>, %arg7: memref<56xi32, #tpu.memory_space<vmem>>, %arg8: memref<56x256xf32, #tpu.memory_space<vmem>>, %arg9: memref<!tpu.dma_semaphore, #tpu.memory_space<semaphore_mem>>) attributes {dimension_semantics = [#tpu.dimension_semantics<core_parallel>, #tpu.dimension_semantics<subcore_parallel>], iteration_bounds = array<i64: 2, 16>, scalar_prefetch = 0 : i64, scratch_operands = 3 : i64, tpu.core_type = #tpu.core_type<sc_vector_subcore>, window_params = [{transform_indices = #map}, {transform_indices = #map1}, {transform_indices = #map1}, {transform_indices = #map}, {transform_indices = #map}]} {
    %mul3A = arith.constant 2 : i32
    %mul3A_0 = arith.muli %arg1, %mul3A : i32
    %add3A = arith.addi %mul3A_0, %arg0 : i32
    %mul3A_1 = arith.constant 392 : i32
    %mul3A_2 = arith.muli %add3A, %mul3A_1 : i32
    %add3A_3 = arith.constant 0 : i32
    %add3A_4 = arith.addi %mul3A_2, %add3A_3 : i32
    "tpu.region"() ({
      %run_scoped3A = tpu.sem_alloc : memref<!tpu.dma_semaphore, #tpu.memory_space<semaphore_mem>>
      %dma_start3A_99 = tpu.memref_slice %arg3[%add3A_4] : memref<12544xi32, #tpu.memory_space<hbm>> -> memref<56xi32, #tpu.memory_space<hbm>>
      %dma_start3A_100 = tpu.memref_slice %arg3[%add3A_4] : memref<12544xi32, #tpu.memory_space<hbm>> -> memref<56xi32, #tpu.memory_space<hbm>>
      tpu.enqueue_dma source(%dma_start3A_100 : memref<56xi32, #tpu.memory_space<hbm>>) target(%arg7 : memref<56xi32, #tpu.memory_space<vmem>>) target_semaphore(%run_scoped3A : memref<!tpu.dma_semaphore, #tpu.memory_space<semaphore_mem>>)
      %dma_wait3A_101 = tpu.memref_slice %arg3[%add3A_4] : memref<12544xi32, #tpu.memory_space<hbm>> -> memref<56xi32, #tpu.memory_space<hbm>>
      %dma_wait3A_102 = tpu.memref_slice %arg3[%add3A_4] : memref<12544xi32, #tpu.memory_space<hbm>> -> memref<56xi32, #tpu.memory_space<hbm>>
      tpu.wait_dma2 semaphore(%run_scoped3A : memref<!tpu.dma_semaphore, #tpu.memory_space<semaphore_mem>>) src(%dma_wait3A_102 : memref<56xi32, #tpu.memory_space<hbm>>) dst(%arg7 : memref<56xi32, #tpu.memory_space<vmem>>)
      tpu.yield
    }) : () -> ()
    %dma_start3A = arith.constant 0 : i32
    %dma_start3A_5 = arith.constant 0 : i32
    %dma_start3A_6 = tpu.memref_slice %arg2[%dma_start3A, %dma_start3A_5] : memref<8192x256xf32, #tpu.memory_space<hbm>> -> memref<8192x256xf32, #tpu.memory_space<hbm>>
    tpu.enqueue_indirect_dma source(%dma_start3A_6 : memref<8192x256xf32, #tpu.memory_space<hbm>>) target(%arg8 : memref<56x256xf32, #tpu.memory_space<vmem>>) offsets(%arg7 : memref<56xi32, #tpu.memory_space<vmem>>) semaphore(%arg9 : memref<!tpu.dma_semaphore, #tpu.memory_space<semaphore_mem>>)
    %dma_wait3A = arith.constant 0 : i32
    %dma_wait3A_7 = arith.constant 0 : i32
    %dma_wait3A_8 = tpu.memref_slice %arg2[%dma_wait3A, %dma_wait3A_7] : memref<8192x256xf32, #tpu.memory_space<hbm>> -> memref<8192x256xf32, #tpu.memory_space<hbm>>
    tpu.wait_indirect_dma semaphore(%arg9 : memref<!tpu.dma_semaphore, #tpu.memory_space<semaphore_mem>>) src(%dma_wait3A_8 : memref<8192x256xf32, #tpu.memory_space<hbm>>) dst(%arg8 : memref<56x256xf32, #tpu.memory_space<vmem>>)
    "tpu.region"() ({
      %run_scoped3A = tpu.sem_alloc : memref<!tpu.dma_semaphore, #tpu.memory_space<semaphore_mem>>
      %dma_start3A_99 = arith.constant 0 : i32
      %dma_start3A_100 = tpu.memref_slice %arg5[%add3A_4, %dma_start3A_99] : memref<12544x256xf32, #tpu.memory_space<hbm>> -> memref<56x256xf32, #tpu.memory_space<hbm>>
      %dma_start3A_101 = arith.constant 0 : i32
      %dma_start3A_102 = tpu.memref_slice %arg5[%add3A_4, %dma_start3A_101] : memref<12544x256xf32, #tpu.memory_space<hbm>> -> memref<56x256xf32, #tpu.memory_space<hbm>>
      tpu.enqueue_dma source(%arg8 : memref<56x256xf32, #tpu.memory_space<vmem>>) target(%dma_start3A_102 : memref<56x256xf32, #tpu.memory_space<hbm>>) target_semaphore(%run_scoped3A : memref<!tpu.dma_semaphore, #tpu.memory_space<semaphore_mem>>)
      %dma_wait3A_103 = arith.constant 0 : i32
      %dma_wait3A_104 = tpu.memref_slice %arg5[%add3A_4, %dma_wait3A_103] : memref<12544x256xf32, #tpu.memory_space<hbm>> -> memref<56x256xf32, #tpu.memory_space<hbm>>
      %dma_wait3A_105 = arith.constant 0 : i32
      %dma_wait3A_106 = tpu.memref_slice %arg5[%add3A_4, %dma_wait3A_105] : memref<12544x256xf32, #tpu.memory_space<hbm>> -> memref<56x256xf32, #tpu.memory_space<hbm>>
      tpu.wait_dma2 semaphore(%run_scoped3A : memref<!tpu.dma_semaphore, #tpu.memory_space<semaphore_mem>>) src(%arg8 : memref<56x256xf32, #tpu.memory_space<vmem>>) dst(%dma_wait3A_106 : memref<56x256xf32, #tpu.memory_space<hbm>>)
      tpu.yield
    }) : () -> ()
    "tpu.region"() ({
      %run_scoped3A = tpu.sem_alloc : memref<!tpu.dma_semaphore, #tpu.memory_space<semaphore_mem>>
      %dma_start3A_99 = tpu.memref_slice %arg4[%add3A_4] : memref<12544xi32, #tpu.memory_space<hbm>> -> memref<56xi32, #tpu.memory_space<hbm>>
      %dma_start3A_100 = tpu.memref_slice %arg4[%add3A_4] : memref<12544xi32, #tpu.memory_space<hbm>> -> memref<56xi32, #tpu.memory_space<hbm>>
      tpu.enqueue_dma source(%dma_start3A_100 : memref<56xi32, #tpu.memory_space<hbm>>) target(%arg7 : memref<56xi32, #tpu.memory_space<vmem>>) target_semaphore(%run_scoped3A : memref<!tpu.dma_semaphore, #tpu.memory_space<semaphore_mem>>)
      %dma_wait3A_101 = tpu.memref_slice %arg4[%add3A_4] : memref<12544xi32, #tpu.memory_space<hbm>> -> memref<56xi32, #tpu.memory_space<hbm>>
      %dma_wait3A_102 = tpu.memref_slice %arg4[%add3A_4] : memref<12544xi32, #tpu.memory_space<hbm>> -> memref<56xi32, #tpu.memory_space<hbm>>
      tpu.wait_dma2 semaphore(%run_scoped3A : memref<!tpu.dma_semaphore, #tpu.memory_space<semaphore_mem>>) src(%dma_wait3A_102 : memref<56xi32, #tpu.memory_space<hbm>>) dst(%arg7 : memref<56xi32, #tpu.memory_space<vmem>>)
      tpu.yield
    }) : () -> ()
    %dma_start3A_9 = arith.constant 0 : i32
    %dma_start3A_10 = arith.constant 0 : i32
    %dma_start3A_11 = tpu.memref_slice %arg2[%dma_start3A_9, %dma_start3A_10] : memref<8192x256xf32, #tpu.memory_space<hbm>> -> memref<8192x256xf32, #tpu.memory_space<hbm>>
    tpu.enqueue_indirect_dma source(%dma_start3A_11 : memref<8192x256xf32, #tpu.memory_space<hbm>>) target(%arg8 : memref<56x256xf32, #tpu.memory_space<vmem>>) offsets(%arg7 : memref<56xi32, #tpu.memory_space<vmem>>) semaphore(%arg9 : memref<!tpu.dma_semaphore, #tpu.memory_space<semaphore_mem>>)
    %dma_wait3A_12 = arith.constant 0 : i32
    %dma_wait3A_13 = arith.constant 0 : i32
    %dma_wait3A_14 = tpu.memref_slice %arg2[%dma_wait3A_12, %dma_wait3A_13] : memref<8192x256xf32, #tpu.memory_space<hbm>> -> memref<8192x256xf32, #tpu.memory_space<hbm>>
    tpu.wait_indirect_dma semaphore(%arg9 : memref<!tpu.dma_semaphore, #tpu.memory_space<semaphore_mem>>) src(%dma_wait3A_14 : memref<8192x256xf32, #tpu.memory_space<hbm>>) dst(%arg8 : memref<56x256xf32, #tpu.memory_space<vmem>>)
    "tpu.region"() ({
      %run_scoped3A = tpu.sem_alloc : memref<!tpu.dma_semaphore, #tpu.memory_space<semaphore_mem>>
      %dma_start3A_99 = arith.constant 0 : i32
      %dma_start3A_100 = tpu.memref_slice %arg6[%add3A_4, %dma_start3A_99] : memref<12544x256xf32, #tpu.memory_space<hbm>> -> memref<56x256xf32, #tpu.memory_space<hbm>>
      %dma_start3A_101 = arith.constant 0 : i32
      %dma_start3A_102 = tpu.memref_slice %arg6[%add3A_4, %dma_start3A_101] : memref<12544x256xf32, #tpu.memory_space<hbm>> -> memref<56x256xf32, #tpu.memory_space<hbm>>
      tpu.enqueue_dma source(%arg8 : memref<56x256xf32, #tpu.memory_space<vmem>>) target(%dma_start3A_102 : memref<56x256xf32, #tpu.memory_space<hbm>>) target_semaphore(%run_scoped3A : memref<!tpu.dma_semaphore, #tpu.memory_space<semaphore_mem>>)
      %dma_wait3A_103 = arith.constant 0 : i32
      %dma_wait3A_104 = tpu.memref_slice %arg6[%add3A_4, %dma_wait3A_103] : memref<12544x256xf32, #tpu.memory_space<hbm>> -> memref<56x256xf32, #tpu.memory_space<hbm>>
      %dma_wait3A_105 = arith.constant 0 : i32
      %dma_wait3A_106 = tpu.memref_slice %arg6[%add3A_4, %dma_wait3A_105] : memref<12544x256xf32, #tpu.memory_space<hbm>> -> memref<56x256xf32, #tpu.memory_space<hbm>>
      tpu.wait_dma2 semaphore(%run_scoped3A : memref<!tpu.dma_semaphore, #tpu.memory_space<semaphore_mem>>) src(%arg8 : memref<56x256xf32, #tpu.memory_space<vmem>>) dst(%dma_wait3A_106 : memref<56x256xf32, #tpu.memory_space<hbm>>)
      tpu.yield
    }) : () -> ()
    %add3A_15 = arith.constant 56 : i32
    %add3A_16 = arith.addi %mul3A_2, %add3A_15 : i32
    "tpu.region"() ({
      %run_scoped3A = tpu.sem_alloc : memref<!tpu.dma_semaphore, #tpu.memory_space<semaphore_mem>>
      %dma_start3A_99 = tpu.memref_slice %arg3[%add3A_16] : memref<12544xi32, #tpu.memory_space<hbm>> -> memref<56xi32, #tpu.memory_space<hbm>>
      %dma_start3A_100 = tpu.memref_slice %arg3[%add3A_16] : memref<12544xi32, #tpu.memory_space<hbm>> -> memref<56xi32, #tpu.memory_space<hbm>>
      tpu.enqueue_dma source(%dma_start3A_100 : memref<56xi32, #tpu.memory_space<hbm>>) target(%arg7 : memref<56xi32, #tpu.memory_space<vmem>>) target_semaphore(%run_scoped3A : memref<!tpu.dma_semaphore, #tpu.memory_space<semaphore_mem>>)
      %dma_wait3A_101 = tpu.memref_slice %arg3[%add3A_16] : memref<12544xi32, #tpu.memory_space<hbm>> -> memref<56xi32, #tpu.memory_space<hbm>>
      %dma_wait3A_102 = tpu.memref_slice %arg3[%add3A_16] : memref<12544xi32, #tpu.memory_space<hbm>> -> memref<56xi32, #tpu.memory_space<hbm>>
      tpu.wait_dma2 semaphore(%run_scoped3A : memref<!tpu.dma_semaphore, #tpu.memory_space<semaphore_mem>>) src(%dma_wait3A_102 : memref<56xi32, #tpu.memory_space<hbm>>) dst(%arg7 : memref<56xi32, #tpu.memory_space<vmem>>)
      tpu.yield
    }) : () -> ()
    %dma_start3A_17 = arith.constant 0 : i32
    %dma_start3A_18 = arith.constant 0 : i32
    %dma_start3A_19 = tpu.memref_slice %arg2[%dma_start3A_17, %dma_start3A_18] : memref<8192x256xf32, #tpu.memory_space<hbm>> -> memref<8192x256xf32, #tpu.memory_space<hbm>>
    tpu.enqueue_indirect_dma source(%dma_start3A_19 : memref<8192x256xf32, #tpu.memory_space<hbm>>) target(%arg8 : memref<56x256xf32, #tpu.memory_space<vmem>>) offsets(%arg7 : memref<56xi32, #tpu.memory_space<vmem>>) semaphore(%arg9 : memref<!tpu.dma_semaphore, #tpu.memory_space<semaphore_mem>>)
    %dma_wait3A_20 = arith.constant 0 : i32
    %dma_wait3A_21 = arith.constant 0 : i32
    %dma_wait3A_22 = tpu.memref_slice %arg2[%dma_wait3A_20, %dma_wait3A_21] : memref<8192x256xf32, #tpu.memory_space<hbm>> -> memref<8192x256xf32, #tpu.memory_space<hbm>>
    tpu.wait_indirect_dma semaphore(%arg9 : memref<!tpu.dma_semaphore, #tpu.memory_space<semaphore_mem>>) src(%dma_wait3A_22 : memref<8192x256xf32, #tpu.memory_space<hbm>>) dst(%arg8 : memref<56x256xf32, #tpu.memory_space<vmem>>)
    "tpu.region"() ({
      %run_scoped3A = tpu.sem_alloc : memref<!tpu.dma_semaphore, #tpu.memory_space<semaphore_mem>>
      %dma_start3A_99 = arith.constant 0 : i32
      %dma_start3A_100 = tpu.memref_slice %arg5[%add3A_16, %dma_start3A_99] : memref<12544x256xf32, #tpu.memory_space<hbm>> -> memref<56x256xf32, #tpu.memory_space<hbm>>
      %dma_start3A_101 = arith.constant 0 : i32
      %dma_start3A_102 = tpu.memref_slice %arg5[%add3A_16, %dma_start3A_101] : memref<12544x256xf32, #tpu.memory_space<hbm>> -> memref<56x256xf32, #tpu.memory_space<hbm>>
      tpu.enqueue_dma source(%arg8 : memref<56x256xf32, #tpu.memory_space<vmem>>) target(%dma_start3A_102 : memref<56x256xf32, #tpu.memory_space<hbm>>) target_semaphore(%run_scoped3A : memref<!tpu.dma_semaphore, #tpu.memory_space<semaphore_mem>>)
      %dma_wait3A_103 = arith.constant 0 : i32
      %dma_wait3A_104 = tpu.memref_slice %arg5[%add3A_16, %dma_wait3A_103] : memref<12544x256xf32, #tpu.memory_space<hbm>> -> memref<56x256xf32, #tpu.memory_space<hbm>>
      %dma_wait3A_105 = arith.constant 0 : i32
      %dma_wait3A_106 = tpu.memref_slice %arg5[%add3A_16, %dma_wait3A_105] : memref<12544x256xf32, #tpu.memory_space<hbm>> -> memref<56x256xf32, #tpu.memory_space<hbm>>
      tpu.wait_dma2 semaphore(%run_scoped3A : memref<!tpu.dma_semaphore, #tpu.memory_space<semaphore_mem>>) src(%arg8 : memref<56x256xf32, #tpu.memory_space<vmem>>) dst(%dma_wait3A_106 : memref<56x256xf32, #tpu.memory_space<hbm>>)
      tpu.yield
    }) : () -> ()
    "tpu.region"() ({
      %run_scoped3A = tpu.sem_alloc : memref<!tpu.dma_semaphore, #tpu.memory_space<semaphore_mem>>
      %dma_start3A_99 = tpu.memref_slice %arg4[%add3A_16] : memref<12544xi32, #tpu.memory_space<hbm>> -> memref<56xi32, #tpu.memory_space<hbm>>
      %dma_start3A_100 = tpu.memref_slice %arg4[%add3A_16] : memref<12544xi32, #tpu.memory_space<hbm>> -> memref<56xi32, #tpu.memory_space<hbm>>
      tpu.enqueue_dma source(%dma_start3A_100 : memref<56xi32, #tpu.memory_space<hbm>>) target(%arg7 : memref<56xi32, #tpu.memory_space<vmem>>) target_semaphore(%run_scoped3A : memref<!tpu.dma_semaphore, #tpu.memory_space<semaphore_mem>>)
      %dma_wait3A_101 = tpu.memref_slice %arg4[%add3A_16] : memref<12544xi32, #tpu.memory_space<hbm>> -> memref<56xi32, #tpu.memory_space<hbm>>
      %dma_wait3A_102 = tpu.memref_slice %arg4[%add3A_16] : memref<12544xi32, #tpu.memory_space<hbm>> -> memref<56xi32, #tpu.memory_space<hbm>>
      tpu.wait_dma2 semaphore(%run_scoped3A : memref<!tpu.dma_semaphore, #tpu.memory_space<semaphore_mem>>) src(%dma_wait3A_102 : memref<56xi32, #tpu.memory_space<hbm>>) dst(%arg7 : memref<56xi32, #tpu.memory_space<vmem>>)
      tpu.yield
    }) : () -> ()
    %dma_start3A_23 = arith.constant 0 : i32
    %dma_start3A_24 = arith.constant 0 : i32
    %dma_start3A_25 = tpu.memref_slice %arg2[%dma_start3A_23, %dma_start3A_24] : memref<8192x256xf32, #tpu.memory_space<hbm>> -> memref<8192x256xf32, #tpu.memory_space<hbm>>
    tpu.enqueue_indirect_dma source(%dma_start3A_25 : memref<8192x256xf32, #tpu.memory_space<hbm>>) target(%arg8 : memref<56x256xf32, #tpu.memory_space<vmem>>) offsets(%arg7 : memref<56xi32, #tpu.memory_space<vmem>>) semaphore(%arg9 : memref<!tpu.dma_semaphore, #tpu.memory_space<semaphore_mem>>)
    %dma_wait3A_26 = arith.constant 0 : i32
    %dma_wait3A_27 = arith.constant 0 : i32
    %dma_wait3A_28 = tpu.memref_slice %arg2[%dma_wait3A_26, %dma_wait3A_27] : memref<8192x256xf32, #tpu.memory_space<hbm>> -> memref<8192x256xf32, #tpu.memory_space<hbm>>
    tpu.wait_indirect_dma semaphore(%arg9 : memref<!tpu.dma_semaphore, #tpu.memory_space<semaphore_mem>>) src(%dma_wait3A_28 : memref<8192x256xf32, #tpu.memory_space<hbm>>) dst(%arg8 : memref<56x256xf32, #tpu.memory_space<vmem>>)
    "tpu.region"() ({
      %run_scoped3A = tpu.sem_alloc : memref<!tpu.dma_semaphore, #tpu.memory_space<semaphore_mem>>
      %dma_start3A_99 = arith.constant 0 : i32
      %dma_start3A_100 = tpu.memref_slice %arg6[%add3A_16, %dma_start3A_99] : memref<12544x256xf32, #tpu.memory_space<hbm>> -> memref<56x256xf32, #tpu.memory_space<hbm>>
      %dma_start3A_101 = arith.constant 0 : i32
      %dma_start3A_102 = tpu.memref_slice %arg6[%add3A_16, %dma_start3A_101] : memref<12544x256xf32, #tpu.memory_space<hbm>> -> memref<56x256xf32, #tpu.memory_space<hbm>>
      tpu.enqueue_dma source(%arg8 : memref<56x256xf32, #tpu.memory_space<vmem>>) target(%dma_start3A_102 : memref<56x256xf32, #tpu.memory_space<hbm>>) target_semaphore(%run_scoped3A : memref<!tpu.dma_semaphore, #tpu.memory_space<semaphore_mem>>)
      %dma_wait3A_103 = arith.constant 0 : i32
      %dma_wait3A_104 = tpu.memref_slice %arg6[%add3A_16, %dma_wait3A_103] : memref<12544x256xf32, #tpu.memory_space<hbm>> -> memref<56x256xf32, #tpu.memory_space<hbm>>
      %dma_wait3A_105 = arith.constant 0 : i32
      %dma_wait3A_106 = tpu.memref_slice %arg6[%add3A_16, %dma_wait3A_105] : memref<12544x256xf32, #tpu.memory_space<hbm>> -> memref<56x256xf32, #tpu.memory_space<hbm>>
      tpu.wait_dma2 semaphore(%run_scoped3A : memref<!tpu.dma_semaphore, #tpu.memory_space<semaphore_mem>>) src(%arg8 : memref<56x256xf32, #tpu.memory_space<vmem>>) dst(%dma_wait3A_106 : memref<56x256xf32, #tpu.memory_space<hbm>>)
      tpu.yield
    }) : () -> ()
    %add3A_29 = arith.constant 112 : i32
    %add3A_30 = arith.addi %mul3A_2, %add3A_29 : i32
    "tpu.region"() ({
      %run_scoped3A = tpu.sem_alloc : memref<!tpu.dma_semaphore, #tpu.memory_space<semaphore_mem>>
      %dma_start3A_99 = tpu.memref_slice %arg3[%add3A_30] : memref<12544xi32, #tpu.memory_space<hbm>> -> memref<56xi32, #tpu.memory_space<hbm>>
      %dma_start3A_100 = tpu.memref_slice %arg3[%add3A_30] : memref<12544xi32, #tpu.memory_space<hbm>> -> memref<56xi32, #tpu.memory_space<hbm>>
      tpu.enqueue_dma source(%dma_start3A_100 : memref<56xi32, #tpu.memory_space<hbm>>) target(%arg7 : memref<56xi32, #tpu.memory_space<vmem>>) target_semaphore(%run_scoped3A : memref<!tpu.dma_semaphore, #tpu.memory_space<semaphore_mem>>)
      %dma_wait3A_101 = tpu.memref_slice %arg3[%add3A_30] : memref<12544xi32, #tpu.memory_space<hbm>> -> memref<56xi32, #tpu.memory_space<hbm>>
      %dma_wait3A_102 = tpu.memref_slice %arg3[%add3A_30] : memref<12544xi32, #tpu.memory_space<hbm>> -> memref<56xi32, #tpu.memory_space<hbm>>
      tpu.wait_dma2 semaphore(%run_scoped3A : memref<!tpu.dma_semaphore, #tpu.memory_space<semaphore_mem>>) src(%dma_wait3A_102 : memref<56xi32, #tpu.memory_space<hbm>>) dst(%arg7 : memref<56xi32, #tpu.memory_space<vmem>>)
      tpu.yield
    }) : () -> ()
    %dma_start3A_31 = arith.constant 0 : i32
    %dma_start3A_32 = arith.constant 0 : i32
    %dma_start3A_33 = tpu.memref_slice %arg2[%dma_start3A_31, %dma_start3A_32] : memref<8192x256xf32, #tpu.memory_space<hbm>> -> memref<8192x256xf32, #tpu.memory_space<hbm>>
    tpu.enqueue_indirect_dma source(%dma_start3A_33 : memref<8192x256xf32, #tpu.memory_space<hbm>>) target(%arg8 : memref<56x256xf32, #tpu.memory_space<vmem>>) offsets(%arg7 : memref<56xi32, #tpu.memory_space<vmem>>) semaphore(%arg9 : memref<!tpu.dma_semaphore, #tpu.memory_space<semaphore_mem>>)
    %dma_wait3A_34 = arith.constant 0 : i32
    %dma_wait3A_35 = arith.constant 0 : i32
    %dma_wait3A_36 = tpu.memref_slice %arg2[%dma_wait3A_34, %dma_wait3A_35] : memref<8192x256xf32, #tpu.memory_space<hbm>> -> memref<8192x256xf32, #tpu.memory_space<hbm>>
    tpu.wait_indirect_dma semaphore(%arg9 : memref<!tpu.dma_semaphore, #tpu.memory_space<semaphore_mem>>) src(%dma_wait3A_36 : memref<8192x256xf32, #tpu.memory_space<hbm>>) dst(%arg8 : memref<56x256xf32, #tpu.memory_space<vmem>>)
    "tpu.region"() ({
      %run_scoped3A = tpu.sem_alloc : memref<!tpu.dma_semaphore, #tpu.memory_space<semaphore_mem>>
      %dma_start3A_99 = arith.constant 0 : i32
      %dma_start3A_100 = tpu.memref_slice %arg5[%add3A_30, %dma_start3A_99] : memref<12544x256xf32, #tpu.memory_space<hbm>> -> memref<56x256xf32, #tpu.memory_space<hbm>>
      %dma_start3A_101 = arith.constant 0 : i32
      %dma_start3A_102 = tpu.memref_slice %arg5[%add3A_30, %dma_start3A_101] : memref<12544x256xf32, #tpu.memory_space<hbm>> -> memref<56x256xf32, #tpu.memory_space<hbm>>
      tpu.enqueue_dma source(%arg8 : memref<56x256xf32, #tpu.memory_space<vmem>>) target(%dma_start3A_102 : memref<56x256xf32, #tpu.memory_space<hbm>>) target_semaphore(%run_scoped3A : memref<!tpu.dma_semaphore, #tpu.memory_space<semaphore_mem>>)
      %dma_wait3A_103 = arith.constant 0 : i32
      %dma_wait3A_104 = tpu.memref_slice %arg5[%add3A_30, %dma_wait3A_103] : memref<12544x256xf32, #tpu.memory_space<hbm>> -> memref<56x256xf32, #tpu.memory_space<hbm>>
      %dma_wait3A_105 = arith.constant 0 : i32
      %dma_wait3A_106 = tpu.memref_slice %arg5[%add3A_30, %dma_wait3A_105] : memref<12544x256xf32, #tpu.memory_space<hbm>> -> memref<56x256xf32, #tpu.memory_space<hbm>>
      tpu.wait_dma2 semaphore(%run_scoped3A : memref<!tpu.dma_semaphore, #tpu.memory_space<semaphore_mem>>) src(%arg8 : memref<56x256xf32, #tpu.memory_space<vmem>>) dst(%dma_wait3A_106 : memref<56x256xf32, #tpu.memory_space<hbm>>)
      tpu.yield
    }) : () -> ()
    "tpu.region"() ({
      %run_scoped3A = tpu.sem_alloc : memref<!tpu.dma_semaphore, #tpu.memory_space<semaphore_mem>>
      %dma_start3A_99 = tpu.memref_slice %arg4[%add3A_30] : memref<12544xi32, #tpu.memory_space<hbm>> -> memref<56xi32, #tpu.memory_space<hbm>>
      %dma_start3A_100 = tpu.memref_slice %arg4[%add3A_30] : memref<12544xi32, #tpu.memory_space<hbm>> -> memref<56xi32, #tpu.memory_space<hbm>>
      tpu.enqueue_dma source(%dma_start3A_100 : memref<56xi32, #tpu.memory_space<hbm>>) target(%arg7 : memref<56xi32, #tpu.memory_space<vmem>>) target_semaphore(%run_scoped3A : memref<!tpu.dma_semaphore, #tpu.memory_space<semaphore_mem>>)
      %dma_wait3A_101 = tpu.memref_slice %arg4[%add3A_30] : memref<12544xi32, #tpu.memory_space<hbm>> -> memref<56xi32, #tpu.memory_space<hbm>>
      %dma_wait3A_102 = tpu.memref_slice %arg4[%add3A_30] : memref<12544xi32, #tpu.memory_space<hbm>> -> memref<56xi32, #tpu.memory_space<hbm>>
      tpu.wait_dma2 semaphore(%run_scoped3A : memref<!tpu.dma_semaphore, #tpu.memory_space<semaphore_mem>>) src(%dma_wait3A_102 : memref<56xi32, #tpu.memory_space<hbm>>) dst(%arg7 : memref<56xi32, #tpu.memory_space<vmem>>)
      tpu.yield
    }) : () -> ()
    %dma_start3A_37 = arith.constant 0 : i32
    %dma_start3A_38 = arith.constant 0 : i32
    %dma_start3A_39 = tpu.memref_slice %arg2[%dma_start3A_37, %dma_start3A_38] : memref<8192x256xf32, #tpu.memory_space<hbm>> -> memref<8192x256xf32, #tpu.memory_space<hbm>>
    tpu.enqueue_indirect_dma source(%dma_start3A_39 : memref<8192x256xf32, #tpu.memory_space<hbm>>) target(%arg8 : memref<56x256xf32, #tpu.memory_space<vmem>>) offsets(%arg7 : memref<56xi32, #tpu.memory_space<vmem>>) semaphore(%arg9 : memref<!tpu.dma_semaphore, #tpu.memory_space<semaphore_mem>>)
    %dma_wait3A_40 = arith.constant 0 : i32
    %dma_wait3A_41 = arith.constant 0 : i32
    %dma_wait3A_42 = tpu.memref_slice %arg2[%dma_wait3A_40, %dma_wait3A_41] : memref<8192x256xf32, #tpu.memory_space<hbm>> -> memref<8192x256xf32, #tpu.memory_space<hbm>>
    tpu.wait_indirect_dma semaphore(%arg9 : memref<!tpu.dma_semaphore, #tpu.memory_space<semaphore_mem>>) src(%dma_wait3A_42 : memref<8192x256xf32, #tpu.memory_space<hbm>>) dst(%arg8 : memref<56x256xf32, #tpu.memory_space<vmem>>)
    "tpu.region"() ({
      %run_scoped3A = tpu.sem_alloc : memref<!tpu.dma_semaphore, #tpu.memory_space<semaphore_mem>>
      %dma_start3A_99 = arith.constant 0 : i32
      %dma_start3A_100 = tpu.memref_slice %arg6[%add3A_30, %dma_start3A_99] : memref<12544x256xf32, #tpu.memory_space<hbm>> -> memref<56x256xf32, #tpu.memory_space<hbm>>
      %dma_start3A_101 = arith.constant 0 : i32
      %dma_start3A_102 = tpu.memref_slice %arg6[%add3A_30, %dma_start3A_101] : memref<12544x256xf32, #tpu.memory_space<hbm>> -> memref<56x256xf32, #tpu.memory_space<hbm>>
      tpu.enqueue_dma source(%arg8 : memref<56x256xf32, #tpu.memory_space<vmem>>) target(%dma_start3A_102 : memref<56x256xf32, #tpu.memory_space<hbm>>) target_semaphore(%run_scoped3A : memref<!tpu.dma_semaphore, #tpu.memory_space<semaphore_mem>>)
      %dma_wait3A_103 = arith.constant 0 : i32
      %dma_wait3A_104 = tpu.memref_slice %arg6[%add3A_30, %dma_wait3A_103] : memref<12544x256xf32, #tpu.memory_space<hbm>> -> memref<56x256xf32, #tpu.memory_space<hbm>>
      %dma_wait3A_105 = arith.constant 0 : i32
      %dma_wait3A_106 = tpu.memref_slice %arg6[%add3A_30, %dma_wait3A_105] : memref<12544x256xf32, #tpu.memory_space<hbm>> -> memref<56x256xf32, #tpu.memory_space<hbm>>
      tpu.wait_dma2 semaphore(%run_scoped3A : memref<!tpu.dma_semaphore, #tpu.memory_space<semaphore_mem>>) src(%arg8 : memref<56x256xf32, #tpu.memory_space<vmem>>) dst(%dma_wait3A_106 : memref<56x256xf32, #tpu.memory_space<hbm>>)
      tpu.yield
    }) : () -> ()
    %add3A_43 = arith.constant 168 : i32
    %add3A_44 = arith.addi %mul3A_2, %add3A_43 : i32
    "tpu.region"() ({
      %run_scoped3A = tpu.sem_alloc : memref<!tpu.dma_semaphore, #tpu.memory_space<semaphore_mem>>
      %dma_start3A_99 = tpu.memref_slice %arg3[%add3A_44] : memref<12544xi32, #tpu.memory_space<hbm>> -> memref<56xi32, #tpu.memory_space<hbm>>
      %dma_start3A_100 = tpu.memref_slice %arg3[%add3A_44] : memref<12544xi32, #tpu.memory_space<hbm>> -> memref<56xi32, #tpu.memory_space<hbm>>
      tpu.enqueue_dma source(%dma_start3A_100 : memref<56xi32, #tpu.memory_space<hbm>>) target(%arg7 : memref<56xi32, #tpu.memory_space<vmem>>) target_semaphore(%run_scoped3A : memref<!tpu.dma_semaphore, #tpu.memory_space<semaphore_mem>>)
      %dma_wait3A_101 = tpu.memref_slice %arg3[%add3A_44] : memref<12544xi32, #tpu.memory_space<hbm>> -> memref<56xi32, #tpu.memory_space<hbm>>
      %dma_wait3A_102 = tpu.memref_slice %arg3[%add3A_44] : memref<12544xi32, #tpu.memory_space<hbm>> -> memref<56xi32, #tpu.memory_space<hbm>>
      tpu.wait_dma2 semaphore(%run_scoped3A : memref<!tpu.dma_semaphore, #tpu.memory_space<semaphore_mem>>) src(%dma_wait3A_102 : memref<56xi32, #tpu.memory_space<hbm>>) dst(%arg7 : memref<56xi32, #tpu.memory_space<vmem>>)
      tpu.yield
    }) : () -> ()
    %dma_start3A_45 = arith.constant 0 : i32
    %dma_start3A_46 = arith.constant 0 : i32
    %dma_start3A_47 = tpu.memref_slice %arg2[%dma_start3A_45, %dma_start3A_46] : memref<8192x256xf32, #tpu.memory_space<hbm>> -> memref<8192x256xf32, #tpu.memory_space<hbm>>
    tpu.enqueue_indirect_dma source(%dma_start3A_47 : memref<8192x256xf32, #tpu.memory_space<hbm>>) target(%arg8 : memref<56x256xf32, #tpu.memory_space<vmem>>) offsets(%arg7 : memref<56xi32, #tpu.memory_space<vmem>>) semaphore(%arg9 : memref<!tpu.dma_semaphore, #tpu.memory_space<semaphore_mem>>)
    %dma_wait3A_48 = arith.constant 0 : i32
    %dma_wait3A_49 = arith.constant 0 : i32
    %dma_wait3A_50 = tpu.memref_slice %arg2[%dma_wait3A_48, %dma_wait3A_49] : memref<8192x256xf32, #tpu.memory_space<hbm>> -> memref<8192x256xf32, #tpu.memory_space<hbm>>
    tpu.wait_indirect_dma semaphore(%arg9 : memref<!tpu.dma_semaphore, #tpu.memory_space<semaphore_mem>>) src(%dma_wait3A_50 : memref<8192x256xf32, #tpu.memory_space<hbm>>) dst(%arg8 : memref<56x256xf32, #tpu.memory_space<vmem>>)
    "tpu.region"() ({
      %run_scoped3A = tpu.sem_alloc : memref<!tpu.dma_semaphore, #tpu.memory_space<semaphore_mem>>
      %dma_start3A_99 = arith.constant 0 : i32
      %dma_start3A_100 = tpu.memref_slice %arg5[%add3A_44, %dma_start3A_99] : memref<12544x256xf32, #tpu.memory_space<hbm>> -> memref<56x256xf32, #tpu.memory_space<hbm>>
      %dma_start3A_101 = arith.constant 0 : i32
      %dma_start3A_102 = tpu.memref_slice %arg5[%add3A_44, %dma_start3A_101] : memref<12544x256xf32, #tpu.memory_space<hbm>> -> memref<56x256xf32, #tpu.memory_space<hbm>>
      tpu.enqueue_dma source(%arg8 : memref<56x256xf32, #tpu.memory_space<vmem>>) target(%dma_start3A_102 : memref<56x256xf32, #tpu.memory_space<hbm>>) target_semaphore(%run_scoped3A : memref<!tpu.dma_semaphore, #tpu.memory_space<semaphore_mem>>)
      %dma_wait3A_103 = arith.constant 0 : i32
      %dma_wait3A_104 = tpu.memref_slice %arg5[%add3A_44, %dma_wait3A_103] : memref<12544x256xf32, #tpu.memory_space<hbm>> -> memref<56x256xf32, #tpu.memory_space<hbm>>
      %dma_wait3A_105 = arith.constant 0 : i32
      %dma_wait3A_106 = tpu.memref_slice %arg5[%add3A_44, %dma_wait3A_105] : memref<12544x256xf32, #tpu.memory_space<hbm>> -> memref<56x256xf32, #tpu.memory_space<hbm>>
      tpu.wait_dma2 semaphore(%run_scoped3A : memref<!tpu.dma_semaphore, #tpu.memory_space<semaphore_mem>>) src(%arg8 : memref<56x256xf32, #tpu.memory_space<vmem>>) dst(%dma_wait3A_106 : memref<56x256xf32, #tpu.memory_space<hbm>>)
      tpu.yield
    }) : () -> ()
    "tpu.region"() ({
      %run_scoped3A = tpu.sem_alloc : memref<!tpu.dma_semaphore, #tpu.memory_space<semaphore_mem>>
      %dma_start3A_99 = tpu.memref_slice %arg4[%add3A_44] : memref<12544xi32, #tpu.memory_space<hbm>> -> memref<56xi32, #tpu.memory_space<hbm>>
      %dma_start3A_100 = tpu.memref_slice %arg4[%add3A_44] : memref<12544xi32, #tpu.memory_space<hbm>> -> memref<56xi32, #tpu.memory_space<hbm>>
      tpu.enqueue_dma source(%dma_start3A_100 : memref<56xi32, #tpu.memory_space<hbm>>) target(%arg7 : memref<56xi32, #tpu.memory_space<vmem>>) target_semaphore(%run_scoped3A : memref<!tpu.dma_semaphore, #tpu.memory_space<semaphore_mem>>)
      %dma_wait3A_101 = tpu.memref_slice %arg4[%add3A_44] : memref<12544xi32, #tpu.memory_space<hbm>> -> memref<56xi32, #tpu.memory_space<hbm>>
      %dma_wait3A_102 = tpu.memref_slice %arg4[%add3A_44] : memref<12544xi32, #tpu.memory_space<hbm>> -> memref<56xi32, #tpu.memory_space<hbm>>
      tpu.wait_dma2 semaphore(%run_scoped3A : memref<!tpu.dma_semaphore, #tpu.memory_space<semaphore_mem>>) src(%dma_wait3A_102 : memref<56xi32, #tpu.memory_space<hbm>>) dst(%arg7 : memref<56xi32, #tpu.memory_space<vmem>>)
      tpu.yield
    }) : () -> ()
    %dma_start3A_51 = arith.constant 0 : i32
    %dma_start3A_52 = arith.constant 0 : i32
    %dma_start3A_53 = tpu.memref_slice %arg2[%dma_start3A_51, %dma_start3A_52] : memref<8192x256xf32, #tpu.memory_space<hbm>> -> memref<8192x256xf32, #tpu.memory_space<hbm>>
    tpu.enqueue_indirect_dma source(%dma_start3A_53 : memref<8192x256xf32, #tpu.memory_space<hbm>>) target(%arg8 : memref<56x256xf32, #tpu.memory_space<vmem>>) offsets(%arg7 : memref<56xi32, #tpu.memory_space<vmem>>) semaphore(%arg9 : memref<!tpu.dma_semaphore, #tpu.memory_space<semaphore_mem>>)
    %dma_wait3A_54 = arith.constant 0 : i32
    %dma_wait3A_55 = arith.constant 0 : i32
    %dma_wait3A_56 = tpu.memref_slice %arg2[%dma_wait3A_54, %dma_wait3A_55] : memref<8192x256xf32, #tpu.memory_space<hbm>> -> memref<8192x256xf32, #tpu.memory_space<hbm>>
    tpu.wait_indirect_dma semaphore(%arg9 : memref<!tpu.dma_semaphore, #tpu.memory_space<semaphore_mem>>) src(%dma_wait3A_56 : memref<8192x256xf32, #tpu.memory_space<hbm>>) dst(%arg8 : memref<56x256xf32, #tpu.memory_space<vmem>>)
    "tpu.region"() ({
      %run_scoped3A = tpu.sem_alloc : memref<!tpu.dma_semaphore, #tpu.memory_space<semaphore_mem>>
      %dma_start3A_99 = arith.constant 0 : i32
      %dma_start3A_100 = tpu.memref_slice %arg6[%add3A_44, %dma_start3A_99] : memref<12544x256xf32, #tpu.memory_space<hbm>> -> memref<56x256xf32, #tpu.memory_space<hbm>>
      %dma_start3A_101 = arith.constant 0 : i32
      %dma_start3A_102 = tpu.memref_slice %arg6[%add3A_44, %dma_start3A_101] : memref<12544x256xf32, #tpu.memory_space<hbm>> -> memref<56x256xf32, #tpu.memory_space<hbm>>
      tpu.enqueue_dma source(%arg8 : memref<56x256xf32, #tpu.memory_space<vmem>>) target(%dma_start3A_102 : memref<56x256xf32, #tpu.memory_space<hbm>>) target_semaphore(%run_scoped3A : memref<!tpu.dma_semaphore, #tpu.memory_space<semaphore_mem>>)
      %dma_wait3A_103 = arith.constant 0 : i32
      %dma_wait3A_104 = tpu.memref_slice %arg6[%add3A_44, %dma_wait3A_103] : memref<12544x256xf32, #tpu.memory_space<hbm>> -> memref<56x256xf32, #tpu.memory_space<hbm>>
      %dma_wait3A_105 = arith.constant 0 : i32
      %dma_wait3A_106 = tpu.memref_slice %arg6[%add3A_44, %dma_wait3A_105] : memref<12544x256xf32, #tpu.memory_space<hbm>> -> memref<56x256xf32, #tpu.memory_space<hbm>>
      tpu.wait_dma2 semaphore(%run_scoped3A : memref<!tpu.dma_semaphore, #tpu.memory_space<semaphore_mem>>) src(%arg8 : memref<56x256xf32, #tpu.memory_space<vmem>>) dst(%dma_wait3A_106 : memref<56x256xf32, #tpu.memory_space<hbm>>)
      tpu.yield
    }) : () -> ()
    %add3A_57 = arith.constant 224 : i32
    %add3A_58 = arith.addi %mul3A_2, %add3A_57 : i32
    "tpu.region"() ({
      %run_scoped3A = tpu.sem_alloc : memref<!tpu.dma_semaphore, #tpu.memory_space<semaphore_mem>>
      %dma_start3A_99 = tpu.memref_slice %arg3[%add3A_58] : memref<12544xi32, #tpu.memory_space<hbm>> -> memref<56xi32, #tpu.memory_space<hbm>>
      %dma_start3A_100 = tpu.memref_slice %arg3[%add3A_58] : memref<12544xi32, #tpu.memory_space<hbm>> -> memref<56xi32, #tpu.memory_space<hbm>>
      tpu.enqueue_dma source(%dma_start3A_100 : memref<56xi32, #tpu.memory_space<hbm>>) target(%arg7 : memref<56xi32, #tpu.memory_space<vmem>>) target_semaphore(%run_scoped3A : memref<!tpu.dma_semaphore, #tpu.memory_space<semaphore_mem>>)
      %dma_wait3A_101 = tpu.memref_slice %arg3[%add3A_58] : memref<12544xi32, #tpu.memory_space<hbm>> -> memref<56xi32, #tpu.memory_space<hbm>>
      %dma_wait3A_102 = tpu.memref_slice %arg3[%add3A_58] : memref<12544xi32, #tpu.memory_space<hbm>> -> memref<56xi32, #tpu.memory_space<hbm>>
      tpu.wait_dma2 semaphore(%run_scoped3A : memref<!tpu.dma_semaphore, #tpu.memory_space<semaphore_mem>>) src(%dma_wait3A_102 : memref<56xi32, #tpu.memory_space<hbm>>) dst(%arg7 : memref<56xi32, #tpu.memory_space<vmem>>)
      tpu.yield
    }) : () -> ()
    %dma_start3A_59 = arith.constant 0 : i32
    %dma_start3A_60 = arith.constant 0 : i32
    %dma_start3A_61 = tpu.memref_slice %arg2[%dma_start3A_59, %dma_start3A_60] : memref<8192x256xf32, #tpu.memory_space<hbm>> -> memref<8192x256xf32, #tpu.memory_space<hbm>>
    tpu.enqueue_indirect_dma source(%dma_start3A_61 : memref<8192x256xf32, #tpu.memory_space<hbm>>) target(%arg8 : memref<56x256xf32, #tpu.memory_space<vmem>>) offsets(%arg7 : memref<56xi32, #tpu.memory_space<vmem>>) semaphore(%arg9 : memref<!tpu.dma_semaphore, #tpu.memory_space<semaphore_mem>>)
    %dma_wait3A_62 = arith.constant 0 : i32
    %dma_wait3A_63 = arith.constant 0 : i32
    %dma_wait3A_64 = tpu.memref_slice %arg2[%dma_wait3A_62, %dma_wait3A_63] : memref<8192x256xf32, #tpu.memory_space<hbm>> -> memref<8192x256xf32, #tpu.memory_space<hbm>>
    tpu.wait_indirect_dma semaphore(%arg9 : memref<!tpu.dma_semaphore, #tpu.memory_space<semaphore_mem>>) src(%dma_wait3A_64 : memref<8192x256xf32, #tpu.memory_space<hbm>>) dst(%arg8 : memref<56x256xf32, #tpu.memory_space<vmem>>)
    "tpu.region"() ({
      %run_scoped3A = tpu.sem_alloc : memref<!tpu.dma_semaphore, #tpu.memory_space<semaphore_mem>>
      %dma_start3A_99 = arith.constant 0 : i32
      %dma_start3A_100 = tpu.memref_slice %arg5[%add3A_58, %dma_start3A_99] : memref<12544x256xf32, #tpu.memory_space<hbm>> -> memref<56x256xf32, #tpu.memory_space<hbm>>
      %dma_start3A_101 = arith.constant 0 : i32
      %dma_start3A_102 = tpu.memref_slice %arg5[%add3A_58, %dma_start3A_101] : memref<12544x256xf32, #tpu.memory_space<hbm>> -> memref<56x256xf32, #tpu.memory_space<hbm>>
      tpu.enqueue_dma source(%arg8 : memref<56x256xf32, #tpu.memory_space<vmem>>) target(%dma_start3A_102 : memref<56x256xf32, #tpu.memory_space<hbm>>) target_semaphore(%run_scoped3A : memref<!tpu.dma_semaphore, #tpu.memory_space<semaphore_mem>>)
      %dma_wait3A_103 = arith.constant 0 : i32
      %dma_wait3A_104 = tpu.memref_slice %arg5[%add3A_58, %dma_wait3A_103] : memref<12544x256xf32, #tpu.memory_space<hbm>> -> memref<56x256xf32, #tpu.memory_space<hbm>>
      %dma_wait3A_105 = arith.constant 0 : i32
      %dma_wait3A_106 = tpu.memref_slice %arg5[%add3A_58, %dma_wait3A_105] : memref<12544x256xf32, #tpu.memory_space<hbm>> -> memref<56x256xf32, #tpu.memory_space<hbm>>
      tpu.wait_dma2 semaphore(%run_scoped3A : memref<!tpu.dma_semaphore, #tpu.memory_space<semaphore_mem>>) src(%arg8 : memref<56x256xf32, #tpu.memory_space<vmem>>) dst(%dma_wait3A_106 : memref<56x256xf32, #tpu.memory_space<hbm>>)
      tpu.yield
    }) : () -> ()
    "tpu.region"() ({
      %run_scoped3A = tpu.sem_alloc : memref<!tpu.dma_semaphore, #tpu.memory_space<semaphore_mem>>
      %dma_start3A_99 = tpu.memref_slice %arg4[%add3A_58] : memref<12544xi32, #tpu.memory_space<hbm>> -> memref<56xi32, #tpu.memory_space<hbm>>
      %dma_start3A_100 = tpu.memref_slice %arg4[%add3A_58] : memref<12544xi32, #tpu.memory_space<hbm>> -> memref<56xi32, #tpu.memory_space<hbm>>
      tpu.enqueue_dma source(%dma_start3A_100 : memref<56xi32, #tpu.memory_space<hbm>>) target(%arg7 : memref<56xi32, #tpu.memory_space<vmem>>) target_semaphore(%run_scoped3A : memref<!tpu.dma_semaphore, #tpu.memory_space<semaphore_mem>>)
      %dma_wait3A_101 = tpu.memref_slice %arg4[%add3A_58] : memref<12544xi32, #tpu.memory_space<hbm>> -> memref<56xi32, #tpu.memory_space<hbm>>
      %dma_wait3A_102 = tpu.memref_slice %arg4[%add3A_58] : memref<12544xi32, #tpu.memory_space<hbm>> -> memref<56xi32, #tpu.memory_space<hbm>>
      tpu.wait_dma2 semaphore(%run_scoped3A : memref<!tpu.dma_semaphore, #tpu.memory_space<semaphore_mem>>) src(%dma_wait3A_102 : memref<56xi32, #tpu.memory_space<hbm>>) dst(%arg7 : memref<56xi32, #tpu.memory_space<vmem>>)
      tpu.yield
    }) : () -> ()
    %dma_start3A_65 = arith.constant 0 : i32
    %dma_start3A_66 = arith.constant 0 : i32
    %dma_start3A_67 = tpu.memref_slice %arg2[%dma_start3A_65, %dma_start3A_66] : memref<8192x256xf32, #tpu.memory_space<hbm>> -> memref<8192x256xf32, #tpu.memory_space<hbm>>
    tpu.enqueue_indirect_dma source(%dma_start3A_67 : memref<8192x256xf32, #tpu.memory_space<hbm>>) target(%arg8 : memref<56x256xf32, #tpu.memory_space<vmem>>) offsets(%arg7 : memref<56xi32, #tpu.memory_space<vmem>>) semaphore(%arg9 : memref<!tpu.dma_semaphore, #tpu.memory_space<semaphore_mem>>)
    %dma_wait3A_68 = arith.constant 0 : i32
    %dma_wait3A_69 = arith.constant 0 : i32
    %dma_wait3A_70 = tpu.memref_slice %arg2[%dma_wait3A_68, %dma_wait3A_69] : memref<8192x256xf32, #tpu.memory_space<hbm>> -> memref<8192x256xf32, #tpu.memory_space<hbm>>
    tpu.wait_indirect_dma semaphore(%arg9 : memref<!tpu.dma_semaphore, #tpu.memory_space<semaphore_mem>>) src(%dma_wait3A_70 : memref<8192x256xf32, #tpu.memory_space<hbm>>) dst(%arg8 : memref<56x256xf32, #tpu.memory_space<vmem>>)
    "tpu.region"() ({
      %run_scoped3A = tpu.sem_alloc : memref<!tpu.dma_semaphore, #tpu.memory_space<semaphore_mem>>
      %dma_start3A_99 = arith.constant 0 : i32
      %dma_start3A_100 = tpu.memref_slice %arg6[%add3A_58, %dma_start3A_99] : memref<12544x256xf32, #tpu.memory_space<hbm>> -> memref<56x256xf32, #tpu.memory_space<hbm>>
      %dma_start3A_101 = arith.constant 0 : i32
      %dma_start3A_102 = tpu.memref_slice %arg6[%add3A_58, %dma_start3A_101] : memref<12544x256xf32, #tpu.memory_space<hbm>> -> memref<56x256xf32, #tpu.memory_space<hbm>>
      tpu.enqueue_dma source(%arg8 : memref<56x256xf32, #tpu.memory_space<vmem>>) target(%dma_start3A_102 : memref<56x256xf32, #tpu.memory_space<hbm>>) target_semaphore(%run_scoped3A : memref<!tpu.dma_semaphore, #tpu.memory_space<semaphore_mem>>)
      %dma_wait3A_103 = arith.constant 0 : i32
      %dma_wait3A_104 = tpu.memref_slice %arg6[%add3A_58, %dma_wait3A_103] : memref<12544x256xf32, #tpu.memory_space<hbm>> -> memref<56x256xf32, #tpu.memory_space<hbm>>
      %dma_wait3A_105 = arith.constant 0 : i32
      %dma_wait3A_106 = tpu.memref_slice %arg6[%add3A_58, %dma_wait3A_105] : memref<12544x256xf32, #tpu.memory_space<hbm>> -> memref<56x256xf32, #tpu.memory_space<hbm>>
      tpu.wait_dma2 semaphore(%run_scoped3A : memref<!tpu.dma_semaphore, #tpu.memory_space<semaphore_mem>>) src(%arg8 : memref<56x256xf32, #tpu.memory_space<vmem>>) dst(%dma_wait3A_106 : memref<56x256xf32, #tpu.memory_space<hbm>>)
      tpu.yield
    }) : () -> ()
    %add3A_71 = arith.constant 280 : i32
    %add3A_72 = arith.addi %mul3A_2, %add3A_71 : i32
    "tpu.region"() ({
      %run_scoped3A = tpu.sem_alloc : memref<!tpu.dma_semaphore, #tpu.memory_space<semaphore_mem>>
      %dma_start3A_99 = tpu.memref_slice %arg3[%add3A_72] : memref<12544xi32, #tpu.memory_space<hbm>> -> memref<56xi32, #tpu.memory_space<hbm>>
      %dma_start3A_100 = tpu.memref_slice %arg3[%add3A_72] : memref<12544xi32, #tpu.memory_space<hbm>> -> memref<56xi32, #tpu.memory_space<hbm>>
      tpu.enqueue_dma source(%dma_start3A_100 : memref<56xi32, #tpu.memory_space<hbm>>) target(%arg7 : memref<56xi32, #tpu.memory_space<vmem>>) target_semaphore(%run_scoped3A : memref<!tpu.dma_semaphore, #tpu.memory_space<semaphore_mem>>)
      %dma_wait3A_101 = tpu.memref_slice %arg3[%add3A_72] : memref<12544xi32, #tpu.memory_space<hbm>> -> memref<56xi32, #tpu.memory_space<hbm>>
      %dma_wait3A_102 = tpu.memref_slice %arg3[%add3A_72] : memref<12544xi32, #tpu.memory_space<hbm>> -> memref<56xi32, #tpu.memory_space<hbm>>
      tpu.wait_dma2 semaphore(%run_scoped3A : memref<!tpu.dma_semaphore, #tpu.memory_space<semaphore_mem>>) src(%dma_wait3A_102 : memref<56xi32, #tpu.memory_space<hbm>>) dst(%arg7 : memref<56xi32, #tpu.memory_space<vmem>>)
      tpu.yield
    }) : () -> ()
    %dma_start3A_73 = arith.constant 0 : i32
    %dma_start3A_74 = arith.constant 0 : i32
    %dma_start3A_75 = tpu.memref_slice %arg2[%dma_start3A_73, %dma_start3A_74] : memref<8192x256xf32, #tpu.memory_space<hbm>> -> memref<8192x256xf32, #tpu.memory_space<hbm>>
    tpu.enqueue_indirect_dma source(%dma_start3A_75 : memref<8192x256xf32, #tpu.memory_space<hbm>>) target(%arg8 : memref<56x256xf32, #tpu.memory_space<vmem>>) offsets(%arg7 : memref<56xi32, #tpu.memory_space<vmem>>) semaphore(%arg9 : memref<!tpu.dma_semaphore, #tpu.memory_space<semaphore_mem>>)
    %dma_wait3A_76 = arith.constant 0 : i32
    %dma_wait3A_77 = arith.constant 0 : i32
    %dma_wait3A_78 = tpu.memref_slice %arg2[%dma_wait3A_76, %dma_wait3A_77] : memref<8192x256xf32, #tpu.memory_space<hbm>> -> memref<8192x256xf32, #tpu.memory_space<hbm>>
    tpu.wait_indirect_dma semaphore(%arg9 : memref<!tpu.dma_semaphore, #tpu.memory_space<semaphore_mem>>) src(%dma_wait3A_78 : memref<8192x256xf32, #tpu.memory_space<hbm>>) dst(%arg8 : memref<56x256xf32, #tpu.memory_space<vmem>>)
    "tpu.region"() ({
      %run_scoped3A = tpu.sem_alloc : memref<!tpu.dma_semaphore, #tpu.memory_space<semaphore_mem>>
      %dma_start3A_99 = arith.constant 0 : i32
      %dma_start3A_100 = tpu.memref_slice %arg5[%add3A_72, %dma_start3A_99] : memref<12544x256xf32, #tpu.memory_space<hbm>> -> memref<56x256xf32, #tpu.memory_space<hbm>>
      %dma_start3A_101 = arith.constant 0 : i32
      %dma_start3A_102 = tpu.memref_slice %arg5[%add3A_72, %dma_start3A_101] : memref<12544x256xf32, #tpu.memory_space<hbm>> -> memref<56x256xf32, #tpu.memory_space<hbm>>
      tpu.enqueue_dma source(%arg8 : memref<56x256xf32, #tpu.memory_space<vmem>>) target(%dma_start3A_102 : memref<56x256xf32, #tpu.memory_space<hbm>>) target_semaphore(%run_scoped3A : memref<!tpu.dma_semaphore, #tpu.memory_space<semaphore_mem>>)
      %dma_wait3A_103 = arith.constant 0 : i32
      %dma_wait3A_104 = tpu.memref_slice %arg5[%add3A_72, %dma_wait3A_103] : memref<12544x256xf32, #tpu.memory_space<hbm>> -> memref<56x256xf32, #tpu.memory_space<hbm>>
      %dma_wait3A_105 = arith.constant 0 : i32
      %dma_wait3A_106 = tpu.memref_slice %arg5[%add3A_72, %dma_wait3A_105] : memref<12544x256xf32, #tpu.memory_space<hbm>> -> memref<56x256xf32, #tpu.memory_space<hbm>>
      tpu.wait_dma2 semaphore(%run_scoped3A : memref<!tpu.dma_semaphore, #tpu.memory_space<semaphore_mem>>) src(%arg8 : memref<56x256xf32, #tpu.memory_space<vmem>>) dst(%dma_wait3A_106 : memref<56x256xf32, #tpu.memory_space<hbm>>)
      tpu.yield
    }) : () -> ()
    "tpu.region"() ({
      %run_scoped3A = tpu.sem_alloc : memref<!tpu.dma_semaphore, #tpu.memory_space<semaphore_mem>>
      %dma_start3A_99 = tpu.memref_slice %arg4[%add3A_72] : memref<12544xi32, #tpu.memory_space<hbm>> -> memref<56xi32, #tpu.memory_space<hbm>>
      %dma_start3A_100 = tpu.memref_slice %arg4[%add3A_72] : memref<12544xi32, #tpu.memory_space<hbm>> -> memref<56xi32, #tpu.memory_space<hbm>>
      tpu.enqueue_dma source(%dma_start3A_100 : memref<56xi32, #tpu.memory_space<hbm>>) target(%arg7 : memref<56xi32, #tpu.memory_space<vmem>>) target_semaphore(%run_scoped3A : memref<!tpu.dma_semaphore, #tpu.memory_space<semaphore_mem>>)
      %dma_wait3A_101 = tpu.memref_slice %arg4[%add3A_72] : memref<12544xi32, #tpu.memory_space<hbm>> -> memref<56xi32, #tpu.memory_space<hbm>>
      %dma_wait3A_102 = tpu.memref_slice %arg4[%add3A_72] : memref<12544xi32, #tpu.memory_space<hbm>> -> memref<56xi32, #tpu.memory_space<hbm>>
      tpu.wait_dma2 semaphore(%run_scoped3A : memref<!tpu.dma_semaphore, #tpu.memory_space<semaphore_mem>>) src(%dma_wait3A_102 : memref<56xi32, #tpu.memory_space<hbm>>) dst(%arg7 : memref<56xi32, #tpu.memory_space<vmem>>)
      tpu.yield
    }) : () -> ()
    %dma_start3A_79 = arith.constant 0 : i32
    %dma_start3A_80 = arith.constant 0 : i32
    %dma_start3A_81 = tpu.memref_slice %arg2[%dma_start3A_79, %dma_start3A_80] : memref<8192x256xf32, #tpu.memory_space<hbm>> -> memref<8192x256xf32, #tpu.memory_space<hbm>>
    tpu.enqueue_indirect_dma source(%dma_start3A_81 : memref<8192x256xf32, #tpu.memory_space<hbm>>) target(%arg8 : memref<56x256xf32, #tpu.memory_space<vmem>>) offsets(%arg7 : memref<56xi32, #tpu.memory_space<vmem>>) semaphore(%arg9 : memref<!tpu.dma_semaphore, #tpu.memory_space<semaphore_mem>>)
    %dma_wait3A_82 = arith.constant 0 : i32
    %dma_wait3A_83 = arith.constant 0 : i32
    %dma_wait3A_84 = tpu.memref_slice %arg2[%dma_wait3A_82, %dma_wait3A_83] : memref<8192x256xf32, #tpu.memory_space<hbm>> -> memref<8192x256xf32, #tpu.memory_space<hbm>>
    tpu.wait_indirect_dma semaphore(%arg9 : memref<!tpu.dma_semaphore, #tpu.memory_space<semaphore_mem>>) src(%dma_wait3A_84 : memref<8192x256xf32, #tpu.memory_space<hbm>>) dst(%arg8 : memref<56x256xf32, #tpu.memory_space<vmem>>)
    "tpu.region"() ({
      %run_scoped3A = tpu.sem_alloc : memref<!tpu.dma_semaphore, #tpu.memory_space<semaphore_mem>>
      %dma_start3A_99 = arith.constant 0 : i32
      %dma_start3A_100 = tpu.memref_slice %arg6[%add3A_72, %dma_start3A_99] : memref<12544x256xf32, #tpu.memory_space<hbm>> -> memref<56x256xf32, #tpu.memory_space<hbm>>
      %dma_start3A_101 = arith.constant 0 : i32
      %dma_start3A_102 = tpu.memref_slice %arg6[%add3A_72, %dma_start3A_101] : memref<12544x256xf32, #tpu.memory_space<hbm>> -> memref<56x256xf32, #tpu.memory_space<hbm>>
      tpu.enqueue_dma source(%arg8 : memref<56x256xf32, #tpu.memory_space<vmem>>) target(%dma_start3A_102 : memref<56x256xf32, #tpu.memory_space<hbm>>) target_semaphore(%run_scoped3A : memref<!tpu.dma_semaphore, #tpu.memory_space<semaphore_mem>>)
      %dma_wait3A_103 = arith.constant 0 : i32
      %dma_wait3A_104 = tpu.memref_slice %arg6[%add3A_72, %dma_wait3A_103] : memref<12544x256xf32, #tpu.memory_space<hbm>> -> memref<56x256xf32, #tpu.memory_space<hbm>>
      %dma_wait3A_105 = arith.constant 0 : i32
      %dma_wait3A_106 = tpu.memref_slice %arg6[%add3A_72, %dma_wait3A_105] : memref<12544x256xf32, #tpu.memory_space<hbm>> -> memref<56x256xf32, #tpu.memory_space<hbm>>
      tpu.wait_dma2 semaphore(%run_scoped3A : memref<!tpu.dma_semaphore, #tpu.memory_space<semaphore_mem>>) src(%arg8 : memref<56x256xf32, #tpu.memory_space<vmem>>) dst(%dma_wait3A_106 : memref<56x256xf32, #tpu.memory_space<hbm>>)
      tpu.yield
    }) : () -> ()
    %add3A_85 = arith.constant 336 : i32
    %add3A_86 = arith.addi %mul3A_2, %add3A_85 : i32
    "tpu.region"() ({
      %run_scoped3A = tpu.sem_alloc : memref<!tpu.dma_semaphore, #tpu.memory_space<semaphore_mem>>
      %dma_start3A_99 = tpu.memref_slice %arg3[%add3A_86] : memref<12544xi32, #tpu.memory_space<hbm>> -> memref<56xi32, #tpu.memory_space<hbm>>
      %dma_start3A_100 = tpu.memref_slice %arg3[%add3A_86] : memref<12544xi32, #tpu.memory_space<hbm>> -> memref<56xi32, #tpu.memory_space<hbm>>
      tpu.enqueue_dma source(%dma_start3A_100 : memref<56xi32, #tpu.memory_space<hbm>>) target(%arg7 : memref<56xi32, #tpu.memory_space<vmem>>) target_semaphore(%run_scoped3A : memref<!tpu.dma_semaphore, #tpu.memory_space<semaphore_mem>>)
      %dma_wait3A_101 = tpu.memref_slice %arg3[%add3A_86] : memref<12544xi32, #tpu.memory_space<hbm>> -> memref<56xi32, #tpu.memory_space<hbm>>
      %dma_wait3A_102 = tpu.memref_slice %arg3[%add3A_86] : memref<12544xi32, #tpu.memory_space<hbm>> -> memref<56xi32, #tpu.memory_space<hbm>>
      tpu.wait_dma2 semaphore(%run_scoped3A : memref<!tpu.dma_semaphore, #tpu.memory_space<semaphore_mem>>) src(%dma_wait3A_102 : memref<56xi32, #tpu.memory_space<hbm>>) dst(%arg7 : memref<56xi32, #tpu.memory_space<vmem>>)
      tpu.yield
    }) : () -> ()
    %dma_start3A_87 = arith.constant 0 : i32
    %dma_start3A_88 = arith.constant 0 : i32
    %dma_start3A_89 = tpu.memref_slice %arg2[%dma_start3A_87, %dma_start3A_88] : memref<8192x256xf32, #tpu.memory_space<hbm>> -> memref<8192x256xf32, #tpu.memory_space<hbm>>
    tpu.enqueue_indirect_dma source(%dma_start3A_89 : memref<8192x256xf32, #tpu.memory_space<hbm>>) target(%arg8 : memref<56x256xf32, #tpu.memory_space<vmem>>) offsets(%arg7 : memref<56xi32, #tpu.memory_space<vmem>>) semaphore(%arg9 : memref<!tpu.dma_semaphore, #tpu.memory_space<semaphore_mem>>)
    %dma_wait3A_90 = arith.constant 0 : i32
    %dma_wait3A_91 = arith.constant 0 : i32
    %dma_wait3A_92 = tpu.memref_slice %arg2[%dma_wait3A_90, %dma_wait3A_91] : memref<8192x256xf32, #tpu.memory_space<hbm>> -> memref<8192x256xf32, #tpu.memory_space<hbm>>
    tpu.wait_indirect_dma semaphore(%arg9 : memref<!tpu.dma_semaphore, #tpu.memory_space<semaphore_mem>>) src(%dma_wait3A_92 : memref<8192x256xf32, #tpu.memory_space<hbm>>) dst(%arg8 : memref<56x256xf32, #tpu.memory_space<vmem>>)
    "tpu.region"() ({
      %run_scoped3A = tpu.sem_alloc : memref<!tpu.dma_semaphore, #tpu.memory_space<semaphore_mem>>
      %dma_start3A_99 = arith.constant 0 : i32
      %dma_start3A_100 = tpu.memref_slice %arg5[%add3A_86, %dma_start3A_99] : memref<12544x256xf32, #tpu.memory_space<hbm>> -> memref<56x256xf32, #tpu.memory_space<hbm>>
      %dma_start3A_101 = arith.constant 0 : i32
      %dma_start3A_102 = tpu.memref_slice %arg5[%add3A_86, %dma_start3A_101] : memref<12544x256xf32, #tpu.memory_space<hbm>> -> memref<56x256xf32, #tpu.memory_space<hbm>>
      tpu.enqueue_dma source(%arg8 : memref<56x256xf32, #tpu.memory_space<vmem>>) target(%dma_start3A_102 : memref<56x256xf32, #tpu.memory_space<hbm>>) target_semaphore(%run_scoped3A : memref<!tpu.dma_semaphore, #tpu.memory_space<semaphore_mem>>)
      %dma_wait3A_103 = arith.constant 0 : i32
      %dma_wait3A_104 = tpu.memref_slice %arg5[%add3A_86, %dma_wait3A_103] : memref<12544x256xf32, #tpu.memory_space<hbm>> -> memref<56x256xf32, #tpu.memory_space<hbm>>
      %dma_wait3A_105 = arith.constant 0 : i32
      %dma_wait3A_106 = tpu.memref_slice %arg5[%add3A_86, %dma_wait3A_105] : memref<12544x256xf32, #tpu.memory_space<hbm>> -> memref<56x256xf32, #tpu.memory_space<hbm>>
      tpu.wait_dma2 semaphore(%run_scoped3A : memref<!tpu.dma_semaphore, #tpu.memory_space<semaphore_mem>>) src(%arg8 : memref<56x256xf32, #tpu.memory_space<vmem>>) dst(%dma_wait3A_106 : memref<56x256xf32, #tpu.memory_space<hbm>>)
      tpu.yield
    }) : () -> ()
    "tpu.region"() ({
      %run_scoped3A = tpu.sem_alloc : memref<!tpu.dma_semaphore, #tpu.memory_space<semaphore_mem>>
      %dma_start3A_99 = tpu.memref_slice %arg4[%add3A_86] : memref<12544xi32, #tpu.memory_space<hbm>> -> memref<56xi32, #tpu.memory_space<hbm>>
      %dma_start3A_100 = tpu.memref_slice %arg4[%add3A_86] : memref<12544xi32, #tpu.memory_space<hbm>> -> memref<56xi32, #tpu.memory_space<hbm>>
      tpu.enqueue_dma source(%dma_start3A_100 : memref<56xi32, #tpu.memory_space<hbm>>) target(%arg7 : memref<56xi32, #tpu.memory_space<vmem>>) target_semaphore(%run_scoped3A : memref<!tpu.dma_semaphore, #tpu.memory_space<semaphore_mem>>)
      %dma_wait3A_101 = tpu.memref_slice %arg4[%add3A_86] : memref<12544xi32, #tpu.memory_space<hbm>> -> memref<56xi32, #tpu.memory_space<hbm>>
      %dma_wait3A_102 = tpu.memref_slice %arg4[%add3A_86] : memref<12544xi32, #tpu.memory_space<hbm>> -> memref<56xi32, #tpu.memory_space<hbm>>
      tpu.wait_dma2 semaphore(%run_scoped3A : memref<!tpu.dma_semaphore, #tpu.memory_space<semaphore_mem>>) src(%dma_wait3A_102 : memref<56xi32, #tpu.memory_space<hbm>>) dst(%arg7 : memref<56xi32, #tpu.memory_space<vmem>>)
      tpu.yield
    }) : () -> ()
    %dma_start3A_93 = arith.constant 0 : i32
    %dma_start3A_94 = arith.constant 0 : i32
    %dma_start3A_95 = tpu.memref_slice %arg2[%dma_start3A_93, %dma_start3A_94] : memref<8192x256xf32, #tpu.memory_space<hbm>> -> memref<8192x256xf32, #tpu.memory_space<hbm>>
    tpu.enqueue_indirect_dma source(%dma_start3A_95 : memref<8192x256xf32, #tpu.memory_space<hbm>>) target(%arg8 : memref<56x256xf32, #tpu.memory_space<vmem>>) offsets(%arg7 : memref<56xi32, #tpu.memory_space<vmem>>) semaphore(%arg9 : memref<!tpu.dma_semaphore, #tpu.memory_space<semaphore_mem>>)
    %dma_wait3A_96 = arith.constant 0 : i32
    %dma_wait3A_97 = arith.constant 0 : i32
    %dma_wait3A_98 = tpu.memref_slice %arg2[%dma_wait3A_96, %dma_wait3A_97] : memref<8192x256xf32, #tpu.memory_space<hbm>> -> memref<8192x256xf32, #tpu.memory_space<hbm>>
    tpu.wait_indirect_dma semaphore(%arg9 : memref<!tpu.dma_semaphore, #tpu.memory_space<semaphore_mem>>) src(%dma_wait3A_98 : memref<8192x256xf32, #tpu.memory_space<hbm>>) dst(%arg8 : memref<56x256xf32, #tpu.memory_space<vmem>>)
    "tpu.region"() ({
      %run_scoped3A = tpu.sem_alloc : memref<!tpu.dma_semaphore, #tpu.memory_space<semaphore_mem>>
      %dma_start3A_99 = arith.constant 0 : i32
      %dma_start3A_100 = tpu.memref_slice %arg6[%add3A_86, %dma_start3A_99] : memref<12544x256xf32, #tpu.memory_space<hbm>> -> memref<56x256xf32, #tpu.memory_space<hbm>>
      %dma_start3A_101 = arith.constant 0 : i32
      %dma_start3A_102 = tpu.memref_slice %arg6[%add3A_86, %dma_start3A_101] : memref<12544x256xf32, #tpu.memory_space<hbm>> -> memref<56x256xf32, #tpu.memory_space<hbm>>
      tpu.enqueue_dma source(%arg8 : memref<56x256xf32, #tpu.memory_space<vmem>>) target(%dma_start3A_102 : memref<56x256xf32, #tpu.memory_space<hbm>>) target_semaphore(%run_scoped3A : memref<!tpu.dma_semaphore, #tpu.memory_space<semaphore_mem>>)
      %dma_wait3A_103 = arith.constant 0 : i32
      %dma_wait3A_104 = tpu.memref_slice %arg6[%add3A_86, %dma_wait3A_103] : memref<12544x256xf32, #tpu.memory_space<hbm>> -> memref<56x256xf32, #tpu.memory_space<hbm>>
      %dma_wait3A_105 = arith.constant 0 : i32
      %dma_wait3A_106 = tpu.memref_slice %arg6[%add3A_86, %dma_wait3A_105] : memref<12544x256xf32, #tpu.memory_space<hbm>> -> memref<56x256xf32, #tpu.memory_space<hbm>>
      tpu.wait_dma2 semaphore(%run_scoped3A : memref<!tpu.dma_semaphore, #tpu.memory_space<semaphore_mem>>) src(%arg8 : memref<56x256xf32, #tpu.memory_space<vmem>>) dst(%dma_wait3A_106 : memref<56x256xf32, #tpu.memory_space<hbm>>)
      tpu.yield
    }) : () -> ()
    return
  }
}

module attributes {stable_mosaic.version = 14 : i64} {
  func.func @_fuse_body(%arg0: i32, %arg1: memref<1x196x256xf32, #tpu.memory_space<vmem>>, %arg2: memref<1x196x256xf32, #tpu.memory_space<vmem>>, %arg3: memref<1x196x256xf32, #tpu.memory_space<vmem>>) attributes {dimension_semantics = [#tpu.dimension_semantics<arbitrary>], iteration_bounds = array<i64: 64>, scalar_prefetch = 0 : i64, scratch_operands = 0 : i64, tpu.core_type = #tpu.core_type<tc>, window_params = [{transform_indices = @transform_0, window_bounds = array<i64: 1, 196, 256>}, {transform_indices = @transform_1, window_bounds = array<i64: 1, 196, 256>}, {transform_indices = @transform_2, window_bounds = array<i64: 1, 196, 256>}]} {
    %get3A = arith.constant 0 : index
    %get3A_0 = arith.constant 0 : index
    %get3A_1 = arith.constant 0 : index
    %get3A_2 = vector.load %arg1[%get3A, %get3A_0, %get3A_1] : memref<1x196x256xf32, #tpu.memory_space<vmem>>, vector<1x196x256xf32>
    %mul3A = arith.constant 0.699999988 : f32
    %mul3A_3 = vector.broadcast %mul3A : f32 to vector<1x196x256xf32>
    %mul3A_4 = arith.mulf %mul3A_3, %get3A_2 : vector<1x196x256xf32>
    %get3A_5 = arith.constant 0 : index
    %get3A_6 = arith.constant 0 : index
    %get3A_7 = arith.constant 0 : index
    %get3A_8 = vector.load %arg2[%get3A_5, %get3A_6, %get3A_7] : memref<1x196x256xf32, #tpu.memory_space<vmem>>, vector<1x196x256xf32>
    %mul3A_9 = arith.constant 3.000000e-01 : f32
    %mul3A_10 = vector.broadcast %mul3A_9 : f32 to vector<1x196x256xf32>
    %mul3A_11 = arith.mulf %mul3A_10, %get3A_8 : vector<1x196x256xf32>
    %add3A = arith.addf %mul3A_4, %mul3A_11 : vector<1x196x256xf32>
    %swap3A = arith.constant 0 : index
    %swap3A_12 = arith.constant 0 : index
    %swap3A_13 = arith.constant 0 : index
    %swap3A_14 = vector.load %arg3[%swap3A, %swap3A_12, %swap3A_13] : memref<1x196x256xf32, #tpu.memory_space<vmem>>, vector<1x196x256xf32>
    tpu.vector_store %arg3[%swap3A, %swap3A_12, %swap3A_13], %add3A {strides = array<i32>} : memref<1x196x256xf32, #tpu.memory_space<vmem>>, vector<1x196x256xf32>,
    return
  }
  func.func @transform_0(%arg0: i32) -> (i32, i32, i32) {
    %c0_i32 = arith.constant 0 : i32
    %c0_i32_0 = arith.constant 0 : i32
    %c0_i32_1 = arith.constant 0 : i32
    return %arg0, %c0_i32, %c0_i32_0 : i32, i32, i32
  }
  func.func @transform_1(%arg0: i32) -> (i32, i32, i32) {
    %c0_i32 = arith.constant 0 : i32
    %c0_i32_0 = arith.constant 0 : i32
    %c0_i32_1 = arith.constant 0 : i32
    return %arg0, %c0_i32, %c0_i32_0 : i32, i32, i32
  }
  func.func @transform_2(%arg0: i32) -> (i32, i32, i32) {
    %c0_i32 = arith.constant 0 : i32
    %c0_i32_0 = arith.constant 0 : i32
    %c0_i32_1 = arith.constant 0 : i32
    return %arg0, %c0_i32, %c0_i32_0 : i32, i32, i32
  }
}

</mosaic_0001>

<sc_bundles>
// kernel: kernel.4.cloned.1.call-start
scs
__scs_entry_jumppad:
0x0: {  	(pc) =	sbr.rel $0x88, $3  }
0x1: {  	(tag) =	ssettag $0x0;
	lr =	simm.s32 $0x1  }
0x2: {  	[smem:$0x3F9F] =	sst lr;
	_ =	strace $0xD0000000  }
0x3: {  	_ = 	snop  }
0x4: {  	_ = 	snop  }
0x5: {  	_ = 	snop  }
0x6: {  	_ = 	snop  }
0x7: {  	_ = 	snop  }
__scs_overlays_trampoline_lowered:
0x8: {  	[smem:$0x3FAE] =	sst s0  }
0x9: {  	[smem:$0x3FAF] =	sst s1  }
0xa: {  	[smem:$0x3FB0] =	sst s2  }
0xb: {  	[smem:$0x3FB1] =	sst s3  }
0xc: {  	[smem:$0x3FB2] =	sst s4  }
0xd: {  	[smem:$0x3FB3] =	sst s5  }
0xe: {  	[smem:$0x3FB4] =	sst s6  }
0xf: {  	[smem:$0x3FB5] =	sst s7  }
0x10: {  	[smem:$0x3FB6] =	sst s8  }
0x11: {  	[smem:$0x3FB7] =	sst s9;
	s0 =	simm.s32 @!p0 $0x0  }
0x12: {  	s1 =	sld [smem:$0x3F9D];
	s0 =	simm.s32 @p0 $0x1  }
0x13: {  	[smem:$0x3FB8] =	sst s0;
	s0 =	simm.s32 @!p1 $0x0  }
0x14: {  	s2 =	sld [smem:$0x3F9C];
	s0 =	simm.s32 @p1 $0x1  }
0x15: {  	[smem:$0x3FB9] =	sst s0;
	s0 =	simm.s32 @!p2 $0x0  }
0x16: {  	s3 =	sld [smem:$0x3FDB];
	s0 =	simm.s32 @p2 $0x1  }
0x17: {  	s4 =	simm.s32 $0x1BF5;
	[smem:$0x3FBB] =	sst s0  }
0x18: {  	s0 =	sld [smem:$0x3F9E];
	_ =	swait.ge [sflag:s4], $0x0  }
0x19: {  	s7 =	sld [smem:$0x3F9F]  }
0x1a: {  	s8 =	sadd.s32 $0xFFFFE003, lr  }
0x1b: {  	s9 =	sadd.s32 $0xFFFFFEF7, lr;
	s5 =	simm.s32 $0xFFFFFFFF;
	p2 =	slt.u32 s8, $0xFFFFF086  }
0x1c: {  	p1 =	slt.u32 s9, $0xF7A;
	s5 =	simm.s32 @!p2 $0x0  }
0x1d: {  	s5 =	simm.s32 @p1 $0x1;
	p0 =	seq.s32 s7, s2  }
0x1e: {  	s7 =	smul.u32 @!p0 $0xF7A, s2;
	p2 =	seq.s32 @!p0 s5, $0x0  }
0x1f: {  	s9 =	smul.u32 $0xF7A, s1;
	s8 =	simm.s32 @!p0 $0x1BF5;
	p2 =	por !p2, p0  }
0x20: {  	[sflag:s8] =	ssyncset.s32 @!p0 $0xFFFFF086;
	s6 =	sadd.s32 @!p0 s3, s7;
	s7 =	simm.s32 @!p0 $0x108  }
0x21: {  	s3 =	sadd.s32 s3, s9;
	s6 =	sadd.s32 @!p0 $0x88, s6;
	s7 =	simm.s32 @p2 $0x1082  }
0x22: {  	[simem:s7], [sflag:s8] =	dma.local @!p0 [hbm:s6], $0xF7A  }
0x23: {  	s9 =	sor.u32 $0xD0000000, s2;
	s6 =	simm.s32 $0x108;
	_ =	swait.ge @!p0 [sflag:s8], $0x0  }
0x24: {  	s3 =	sadd.s32 $0x88, s3;
	s6 =	simm.s32 @!p1 $0x1082;
	[sflag:s4] =	ssyncset.s32 $0xFFFFF086  }
0x25: {  	[simem:s6], [sflag:s4] =	dma.local [hbm:s3], $0xF7A  }
0x26: {  	[smem:$0x3F9F] =	sst s1;
	(tag) =	ssettag s2;
	_ =	strace s9  }
0x27: {  	s1 =	sld [smem:$0x3FAF]  }
0x28: {  	s2 =	sld [smem:$0x3FB0]  }
0x29: {  	s4 =	sld [smem:$0x3FB2]  }
0x2a: {  	p0 =	seq.s32 s5, $0x0;
	s5 =	sld [smem:$0x3FB3]  }
0x2b: {  	s6 =	sld [smem:$0x3FB4]  }
0x2c: {  	s7 =	sld [smem:$0x3FB5]  }
0x2d: {  	s3 =	simm.s32 $0x108;
	s8 =	sld [smem:$0x3FB6]  }
0x2e: {  	s3 =	simm.s32 @!p0 $0x1082;
	s9 =	sld [smem:$0x3FB7]  }
0x2f: {  	lr =	sadd.s32 s0, s3;
	s0 =	sld [smem:$0x3FAE]  }
0x30: {  	s3 =	sld [smem:$0x3FB1]  }
0x31: {  	[smem:$0x3FBA] =	sst s10  }
0x32: {  	s10 =	sld [smem:$0x3FB8];
	_ =	sdelay $0x3  }
0x33: {  	p0 =	seq.s32 s10, $0x1;
	s10 =	sld [smem:$0x3FBA];
	_ =	sdelay $0x3  }
0x34: {  	[smem:$0x3FBA] =	sst s10  }
0x35: {  	s10 =	sld [smem:$0x3FB9];
	_ =	sdelay $0x3  }
0x36: {  	p1 =	seq.s32 s10, $0x1;
	s10 =	sld [smem:$0x3FBA];
	_ =	sdelay $0x3  }
0x37: {  	[smem:$0x3FBA] =	sst s10  }
0x38: {  	s10 =	sld [smem:$0x3FBB]  }
0x39: {  	_ = 	snop;
	(pc) =	sbr.ind lr, $3  }
0x3a: {  	_ = 	snop  }
0x3b: {  	_ = 	snop  }
0x3c: {  	p2 =	seq.s32 s10, $0x1;
	s10 =	sld [smem:$0x3FBA]  }
0x3d: {  	_ =	shalt  }
0x3e: {  	_ =	shalt  }
0x3f: {  	_ =	shalt  }
0x40: {  	_ =	shalt  }
0x41: {  	_ =	shalt  }
0x42: {  	_ =	shalt  }
0x43: {  	_ =	shalt  }
0x44: {  	_ =	shalt  }
0x45: {  	_ =	shalt  }
0x46: {  	_ =	shalt  }
0x47: {  	_ =	shalt  }
0x48: {  	_ =	shalt  }
0x49: {  	_ =	shalt  }
0x4a: {  	_ =	shalt  }
0x4b: {  	_ =	shalt  }
0x4c: {  	_ =	shalt  }
0x4d: {  	_ =	shalt  }
0x4e: {  	_ =	shalt  }
0x4f: {  	_ =	shalt  }
0x50: {  	_ =	shalt  }
0x51: {  	_ =	shalt  }
0x52: {  	_ =	shalt  }
0x53: {  	_ =	shalt  }
0x54: {  	_ =	shalt  }
0x55: {  	_ =	shalt  }
0x56: {  	_ =	shalt  }
0x57: {  	_ =	shalt  }
0x58: {  	_ =	shalt  }
0x59: {  	_ =	shalt  }
0x5a: {  	_ =	shalt  }
0x5b: {  	_ =	shalt  }
0x5c: {  	_ =	shalt  }
0x5d: {  	_ =	shalt  }
0x5e: {  	_ =	shalt  }
0x5f: {  	_ =	shalt  }
0x60: {  	_ =	shalt  }
0x61: {  	_ =	shalt  }
0x62: {  	_ =	shalt  }
0x63: {  	_ =	shalt  }
0x64: {  	_ =	shalt  }
0x65: {  	_ =	shalt  }
0x66: {  	_ =	shalt  }
0x67: {  	_ =	shalt  }
0x68: {  	_ =	shalt  }
0x69: {  	_ =	shalt  }
0x6a: {  	_ =	shalt  }
0x6b: {  	_ =	shalt  }
0x6c: {  	_ =	shalt  }
0x6d: {  	_ =	shalt  }
0x6e: {  	_ =	shalt  }
0x6f: {  	_ =	shalt  }
0x70: {  	_ =	shalt  }
0x71: {  	_ =	shalt  }
0x72: {  	_ =	shalt  }
0x73: {  	_ =	shalt  }
0x74: {  	_ =	shalt  }
0x75: {  	_ =	shalt  }
0x76: {  	_ =	shalt  }
0x77: {  	_ =	shalt  }
0x78: {  	_ =	shalt  }
0x79: {  	_ =	shalt  }
0x7a: {  	_ =	shalt  }
0x7b: {  	_ =	shalt  }
0x7c: {  	_ =	shalt  }
0x7d: {  	_ =	shalt  }
0x7e: {  	_ =	shalt  }
0x7f: {  	_ =	shalt  }
0x80: {  	_ =	shalt  }
0x81: {  	_ =	shalt  }
0x82: {  	_ =	shalt  }
0x83: {  	_ =	shalt  }
0x84: {  	_ =	shalt  }
0x85: {  	_ =	shalt  }
0x86: {  	_ =	shalt  }
0x87: {  	_ =	shalt  }
.Lfunc_end0:
.L_simem_size_0:
called_computation_lowered:
.L_overlay_start_0:
0x88: {  	s2 =	sld [smem:$0x3FD9]  }
0x89: {  	s3 =	sld [smem:$0x3FFE];
	_ =	sdelay $0x1  }
0x8a: {  	s1 =	srdreg.scid  }
0x8b: {  	s0 =	sand.u32 $0x1, s1  }
0x8c: {  	s15 =	sshll.u32 s0, $0xA;
	s2 =	sadd.s32 s3, s2  }
0x8d: {  	s2 =	sadd.s32 s2, s15  }
0x8e: {  	[smem:$0x3FC6] =	sst s2  }
0x8f: {  	_ = 	snop  }
0x90: {  	s2 =	sld [smem:$0x3FD0];
	_ =	sdelay $0x2  }
0x91: {  	s4 =	simm.s32 $0xA;
	s5 =	simm.s32 $0x10;
	s16 =	sld [smem:$0x3FC8]  }
0x92: {  	[smem:s5], [sflag:s4] =	dma.local [hbm:s2], $0x1  }
0x93: {  	_ =	swait.eq [sflag:s4], $0x1  }
0x94: {  	s17 =	sld [smem:$0x11]  }
0x95: {  	s18 =	sld [smem:$0x12];
	[sflag:s4] =	ssyncset.done $0x0  }
0x96: {  	s6 =	sld [smem:$0x13];
	[sflag:s4] =	ssyncadd.s32 $0xFFFFFFFF  }
0x97: {  	s19 =	sld [smem:$0x14];
	(tm) =	ssettm $0x1  }
0x98: {  	s7 =	sld [smem:$0x3FFB];
	_ =	sdelay $0x3  }
0x99: {  	_ =	strace s7  }
0x9a: {  	s7 =	sld [smem:$0x3FFC];
	_ =	sdelay $0x3  }
0x9b: {  	_ =	strace s7  }
0x9c: {  	s7 =	sld [smem:$0x3FFD];
	_ =	sdelay $0x3  }
0x9d: {  	_ =	strace s7  }
0x9e: {  	_ =	strace $0x8FFFFFFF  }
0x9f: {  	s20 =	sld [smem:$0x3FDB];
	_ =	sdelay $0x1  }
0xa0: {  	s8 =	simm.s32 $_scs_section_size  }
0xa1: {  	s9 =	simm.s32 $_size__tile_overlayer_lowered;
	s10 =	simm.s32 $_tile_overlayer_lowered  }
0xa2: {  	s23 =	simm.s32 $0x1BFF;
	s22 =	sshll.u32 s10, $0x1;
	s7 =	sadd.s32 s8, s20  }
0xa3: {  	s11 =	simm.s32 $0x0;
	s21 =	sshll.u32 s9, $0x1;
	s9 =	sadd.s32 s22, s7  }
0xa4: {  	[timem:s11], [sflag:s23] =	dma.local [hbm:s9], s21  }
0xa5: {  	_ =	swait.ge [sflag:s23], s21  }
0xa6: {  	s8 =	ssub.s32 $0x0, s21;
	[sflag:s23] =	ssyncset.done $0x0  }
0xa7: {  	[sflag:s23] =	ssyncadd.s32 s8;
	_ =	sdelay $0x1  }
0xa8: {  	s24 =	simm.s32 $0x1B8B  }
0xa9: {  	_ =	swait.ge [sflag:s24], $0x1  }
0xaa: {  	[sflag:s24] =	ssyncset.done $0x0  }
0xab: {  	s25 =	simm.s32 $0x1B8E;
	[sflag:s24] =	ssyncadd.s32 $0xFFFFFFFF  }
0xac: {  	s26 =	simm.s32 $execute0_lowered;
	[smem:$0x3FD2] =	sst s25  }
0xad: {  	s8 =	sshll.u32 s26, $0x1;
	_ =	strace $0x80000046;
	[dreg:$0x1] =	wrdreg $0xFFFFFFFF  }
0xae: {  	s28 =	simm.s32 $_size_execute0_lowered;
	s7 =	sadd.s32 s7, s8;
	[dreg:$0x0] =	wrdreg $0x0  }
0xaf: {  	s8 =	sshll.u32 s28, $0x1;
	[dreg:$0x2] =	wrdreg s7  }
0xb0: {  	[dreg:$0x3] =	wrdreg s8  }
0xb1: {  	[dreg:$0x4] =	wrdreg $0xC0  }
0xb2: {  	_ =	task [dreg:s11], $0x5FFFF  }
0xb3: {  	[dreg:$0x1] =	wrdreg $0xFFFFFFFF  }
0xb4: {  	[dreg:$0x0] =	wrdreg $0x60  }
0xb5: {  	[dreg:$0x2] =	wrdreg s16  }
0xb6: {  	[dreg:$0x3] =	wrdreg s18  }
0xb7: {  	[dreg:$0x4] =	wrdreg s17  }
0xb8: {  	[dreg:$0x5] =	wrdreg s19  }
0xb9: {  	[dreg:$0x6] =	wrdreg s6  }
0xba: {  	[dreg:$0x7] =	wrdreg $0x9  }
0xbb: {  	_ =	task.clear_ibuf [dreg:s11], $0x8FFFF;
	_ =	strace $0x90000046  }
0xbc: {  	s29 =	simm.s32 $0x9;
	_ =	strace $0x80000048  }
0xbd: {  	_ =	swait.ge [sflag:s29], $0x1  }
0xbe: {  	[sflag:s29] =	ssyncadd.s32 $0xFFFFFFFF  }
0xbf: {  	_ =	strace $0x90000048  }
0xc0: {  	_ =	sfence  }
0xc1: {  	s30 =	sld [smem:$0x0];
	_ =	sdelay $0x2  }
0xc2: {  	s31 =	sshll.u32 s1, $0xD;
	s1 =	sshrl.u32 s1, $0x2  }
0xc3: {  	s3 =	sand.u32 $0x4000, s31;
	s1 =	sadd.s32 s1, s30  }
0xc4: {  	s0 =	sor.u32 s3, s0;
	s1 =	sshll.u32 s1, $0x11  }
0xc5: {  	s0 =	sor.u32 s1, s0  }
0xc6: {  	s0 =	sadd.s32 $0x8F2B, s0  }
0xc7: {  	[sflag:s0] =	ssyncadd.remote.s32 $0x1  }
0xc8: {  	_ =	sfence.sel $0xFFFF  }
0xc9: {  	[dreg:$0x0] =	wrdreg $0xFFFFFFFF;
	(pc) =	sbr.abs _section_cstart, $3  }
0xca: {  	[dreg:$0x1] =	wrdreg $0xFFFFFFFF  }
0xcb: {  	_ =	task.clear_ibuf [dreg:s11], $0x2FFFF;
	_ =	strace $0x9FFFFFFF  }
0xcc: {  	(tm) =	ssettm $0x7FFFFFFF  }
0xcd: {  	_ =	shalt  }
tec
execute0_lowered:
.L_overlay_start_1:
0x0: {  	(tag) =	ssettag $0x1  }
0x1: {  	s1 =	rddreg [dreg:$0x0]  }
0x2: {  	s2 =	rddreg [dreg:$0x1]  }
0x3: {  	s20 =	rddreg [dreg:$0x2]  }
0x4: {  	s3 =	srdreg.scid;
	s19 =	rddreg [dreg:$0x3]  }
0x5: {  	s0 =	stileid.u32;
	s21 =	rddreg [dreg:$0x4]  }
0x6: {  	s28 =	simm.s32 $0x1880;
	s4 =	sand.u32 $0x1, s3;
	s10 =	sshll.u32 s0, $0x1  }
0x7: {  	s29 =	simm.s32 $0x2080;
	s30 =	simm.s32 $0x2880;
	s5 =	sor.u32 s4, s10  }
0x8: {  	s31 =	simm.s32 $0x3080;
	s3 =	simm.s32 $0x0;
	s16 =	smul.u32 $0x188, s5  }
0x9: {  	[smem:$0x7FF] =	sst s3;
	s4 =	ssub.s32 $0x2, s4;
	s5 =	smul.u32 $0x3100, s5  }
0xa: {  	_ =	strace $0x80000047;
	s8 =	sshrl.u32 s4, $0x1;
	s6 =	sshrl.u32 s16, $0x3  }
0xb: {  	s11 =	sadd.s32 s19, s5;
	s12 =	sadd.s32 $0x38, s16;
	s5 =	sadd.s32 s21, s5  }
0xc: {  	s18 =	sadd.s32 $0x70, s16;
	s26 =	sadd.s32 $0xA8, s16;
	s7 =	sadd.s32 s2, s6  }
0xd: {  	[dreg:$0x7] =	wrdreg s11;
	s6 =	sadd.s32 s20, s6;
	s13 =	sshrl.u32 s12, $0x3  }
0xe: {  	[dreg:$0x9] =	wrdreg s5;
	s23 =	sshrl.u32 s18, $0x3;
	s9 =	sshrl.u32 s26, $0x3  }
0xf: {  	s10 =	sshll.u32 s26, $0x5;
	s11 =	sadd.s32 $0xE0, s16;
	[dreg:$0x6] =	wrdreg s7  }
0x10: {  	s26 =	simm.s32 $0x1080;
	[dreg:$0x8] =	wrdreg s6;
	s14 =	sadd.s32 s2, s13  }
0x11: {  	s7 =	sshll.u32 s12, $0x5;
	s17 =	sadd.s32 s20, s13;
	s24 =	sadd.s32 s2, s23  }
0x12: {  	s6 =	sshll.u32 s18, $0x5;
	s12 =	sshrl.u32 s11, $0x3;
	[dreg:$0xa] =	wrdreg s14  }
0x13: {  	s13 =	sshll.u32 s11, $0x5;
	s15 =	sadd.s32 s19, s7;
	[dreg:$0xc] =	wrdreg s17  }
0x14: {  	s22 =	sadd.s32 s21, s7;
	[dreg:$0xe] =	wrdreg s24;
	s25 =	sadd.s32 s19, s6  }
0x15: {  	s5 =	sadd.s32 s21, s6;
	s6 =	sadd.s32 s2, s9;
	s7 =	sadd.s32 s19, s10  }
0x16: {  	s11 =	sadd.s32 s19, s13;
	s14 =	sadd.s32 $0x118, s16;
	[dreg:$0xb] =	wrdreg s15  }
0x17: {  	s13 =	sadd.s32 s21, s13;
	[dreg:$0xd] =	wrdreg s22;
	s22 =	ssub.s32 s4, s8  }
0x18: {  	[dreg:$0xf] =	wrdreg s25;
	s4 =	sadd.s32 s20, s23;
	s8 =	sadd.s32 s20, s9  }
0x19: {  	s9 =	sadd.s32 s21, s10;
	s10 =	sadd.s32 s2, s12;
	s12 =	sadd.s32 s20, s12  }
0x1a: {  	s17 =	sshrl.u32 s14, $0x3;
	s18 =	sshll.u32 s14, $0x5;
	s23 =	sadd.s32 $0x150, s16  }
0x1b: {  	s25 =	simm.s32 $0x880;
	s14 =	sadd.s32 s2, s17;
	s15 =	sadd.s32 s19, s18  }
0x1c: {  	s16 =	sadd.s32 s20, s17;
	s24 =	sshrl.u32 s23, $0x3;
	s23 =	sshll.u32 s23, $0x5  }
0x1d: {  	v2 =	vlaneseq.u32;
	s17 =	sadd.s32 s21, s18;
	s22 =	smax.u32 s22, $0x1;
	s18 =	sadd.s32 s2, s24  }
0x1e: {  	vm0 =	vmmov $0xffff;
	v1 =	vshrl.u32 v2, $0x3;
	s19 =	sadd.s32 s19, s23;
	s20 =	sadd.s32 s20, s24;
	s21 =	sadd.s32 s21, s23  }
0x1f: {  	v0 =	vand.u32 $0x7, v2;
	v2 =	vor.u32 $0x8, v2;
	v1 =	vmul.u32 $0x8, v1;
	s23 =	simm.s32 $0x2;
	s24 =	simm.s32 $0x80;
	s2 =	simm.s32 $0x1  }
.LBB2_1:
0x20: {  	s0 =	rddreg [dreg:$0x6]  }
0x21: {  	[tilespmem:s3], [sflag:$0x2] =	stream.linear.gather [hbm4b:s0+s3], $0x38, $0x38;
	[tilespmem:$0x3880] =	vst v63  }
0x22: {  	_ =	swait.ge [sflag:s23], $0x38  }
0x23: {  	[sflag:s23] =	ssyncset.done $0x0  }
0x24: {  	[sflag:s23] =	ssyncadd.s32 $0xFFFFFFC8  }
0x25: {  	v3 =	vld [tilespmem:$0x0];
	_ =	sdelay $0x4  }
0x26: {  	v4 =	vshll.u32 v3, $0x1  }
0x27: {  	v3 =	vand.u32 $0x7, v3;
	v4 =	vand.u32 $0xFFFFFFF0, v4  }
0x28: {  	v3 =	vor.u32 v3, v4  }
0x29: {  	v4 =	vperm.xlane v3, v0;
	_ =	sdelay $0x1  }
0x2a: {  	v3 =	vperm.xlane v3, v2;
	v4 =	vadd.s32 v1, v4;
	_ =	sdelay $0x1  }
0x2b: {  	v3 =	vadd.s32 v1, v3;
	_ =	sdelay $0x2  }
0x2c: {  	[tilespmem:s24], [sflag:$0x1] =	stream.indirect_vreg.gather [hbm4b:s1+s3], $0x80, v4, vm0, $0xb8;
	[tilespmem:$0x3880] =	vst v63  }
0x2d: {  	_ = 	snop  }
0x2e: {  	[tilespmem:s25], [sflag:$0x1] =	stream.indirect_vreg.gather [hbm4b:s1+s3], $0x80, v3, vm0, $0xb8;
	[tilespmem:$0x3880] =	vst v63  }
0x2f: {  	v3 =	vld [tilespmem:$0x10];
	_ =	sdelay $0x4  }
0x30: {  	v9 =	vshll.u32 v3, $0x1  }
0x31: {  	v3 =	vand.u32 $0x7, v3;
	v4 =	vand.u32 $0xFFFFFFF0, v9  }
0x32: {  	v3 =	vor.u32 v3, v4  }
0x33: {  	v4 =	vperm.xlane v3, v0;
	_ =	sdelay $0x1  }
0x34: {  	v3 =	vperm.xlane v3, v2;
	v4 =	vadd.s32 v1, v4;
	_ =	sdelay $0x1  }
0x35: {  	v3 =	vadd.s32 v1, v3;
	_ =	sdelay $0x2  }
0x36: {  	[tilespmem:s26], [sflag:$0x1] =	stream.indirect_vreg.gather [hbm4b:s1+s3], $0x80, v4, vm0, $0xb8;
	[tilespmem:$0x3880] =	vst v63  }
0x37: {  	_ = 	snop  }
0x38: {  	[tilespmem:s28], [sflag:$0x1] =	stream.indirect_vreg.gather [hbm4b:s1+s3], $0x80, v3, vm0, $0xb8;
	[tilespmem:$0x3880] =	vst v63  }
0x39: {  	v3 =	vld [tilespmem:$0x20];
	_ =	sdelay $0x4  }
0x3a: {  	v10 =	vshll.u32 v3, $0x1  }
0x3b: {  	v3 =	vand.u32 $0x7, v3;
	v4 =	vand.u32 $0xFFFFFFF0, v10  }
0x3c: {  	v3 =	vor.u32 v3, v4  }
0x3d: {  	v4 =	vperm.xlane v3, v0;
	_ =	sdelay $0x1  }
0x3e: {  	v3 =	vperm.xlane v3, v2;
	v4 =	vadd.s32 v1, v4;
	_ =	sdelay $0x1  }
0x3f: {  	v3 =	vadd.s32 v1, v3;
	_ =	sdelay $0x2  }
0x40: {  	[tilespmem:s29], [sflag:$0x1] =	stream.indirect_vreg.gather [hbm4b:s1+s3], $0x80, v4, vm0, $0xb8;
	[tilespmem:$0x3880] =	vst v63  }
0x41: {  	_ = 	snop  }
0x42: {  	[tilespmem:s30], [sflag:$0x1] =	stream.indirect_vreg.gather [hbm4b:s1+s3], $0x80, v3, vm0, $0xb8;
	[tilespmem:$0x3880] =	vst v63  }
0x43: {  	v3 =	vld.msk [tilespmem:$0x30], $0xff;
	_ =	sdelay $0x4  }
0x44: {  	v11 =	vshll.u32 v3, $0x1  }
0x45: {  	v3 =	vand.u32 $0x7, v3;
	v4 =	vand.u32 $0xFFFFFFF0, v11  }
0x46: {  	v3 =	vor.u32 v3, v4  }
0x47: {  	v3 =	vperm.xlane v3, v0;
	_ =	sdelay $0x1  }
0x48: {  	v3 =	vadd.s32 v1, v3;
	_ =	sdelay $0x4  }
0x49: {  	[tilespmem:s31], [sflag:$0x1] =	stream.indirect_vreg.gather [hbm4b:s1+s3], $0x80, v3, vm0, $0xb8;
	[tilespmem:$0x3880] =	vst v63  }
0x4a: {  	_ =	swait.ge [sflag:s2], $0x3800  }
0x4b: {  	[sflag:s2] =	ssyncset.done $0x0  }
0x4c: {  	s0 =	rddreg [dreg:$0x7];
	[sflag:s2] =	ssyncadd.s32 $0xFFFFC800  }
0x4d: {  	[hbm4b:s0+s3] =	stream.linear.scatter [tilespmem:s24], [sflag:$0x2], $0x3800, $0x38;
	[tilespmem:$0x3880] =	vst v63  }
0x4e: {  	_ =	swait.ge [sflag:s23], $0x3800  }
0x4f: {  	[sflag:s23] =	ssyncset.done $0x0  }
0x50: {  	s0 =	rddreg [dreg:$0x8];
	[sflag:s23] =	ssyncadd.s32 $0xFFFFC800  }
0x51: {  	[tilespmem:s3], [sflag:$0x2] =	stream.linear.gather [hbm4b:s0+s3], $0x38, $0x38;
	[tilespmem:$0x3880] =	vst v63  }
0x52: {  	_ =	swait.ge [sflag:s23], $0x38  }
0x53: {  	[sflag:s23] =	ssyncset.done $0x0  }
0x54: {  	[sflag:s23] =	ssyncadd.s32 $0xFFFFFFC8  }
0x55: {  	v3 =	vld [tilespmem:$0x0];
	_ =	sdelay $0x4  }
0x56: {  	v12 =	vshll.u32 v3, $0x1  }
0x57: {  	v3 =	vand.u32 $0x7, v3;
	v4 =	vand.u32 $0xFFFFFFF0, v12  }
0x58: {  	v3 =	vor.u32 v3, v4  }
0x59: {  	v4 =	vperm.xlane v3, v0;
	_ =	sdelay $0x1  }
0x5a: {  	v3 =	vperm.xlane v3, v2;
	v4 =	vadd.s32 v1, v4;
	_ =	sdelay $0x1  }
0x5b: {  	v3 =	vadd.s32 v1, v3;
	_ =	sdelay $0x2  }
0x5c: {  	[tilespmem:s24], [sflag:$0x1] =	stream.indirect_vreg.gather [hbm4b:s1+s3], $0x80, v4, vm0, $0xb8;
	[tilespmem:$0x3880] =	vst v63  }
0x5d: {  	_ = 	snop  }
0x5e: {  	[tilespmem:s25], [sflag:$0x1] =	stream.indirect_vreg.gather [hbm4b:s1+s3], $0x80, v3, vm0, $0xb8;
	[tilespmem:$0x3880] =	vst v63  }
0x5f: {  	v3 =	vld [tilespmem:$0x10];
	_ =	sdelay $0x4  }
0x60: {  	v13 =	vshll.u32 v3, $0x1  }
0x61: {  	v3 =	vand.u32 $0x7, v3;
	v4 =	vand.u32 $0xFFFFFFF0, v13  }
0x62: {  	v3 =	vor.u32 v3, v4  }
0x63: {  	v4 =	vperm.xlane v3, v0;
	_ =	sdelay $0x1  }
0x64: {  	v3 =	vperm.xlane v3, v2;
	v4 =	vadd.s32 v1, v4;
	_ =	sdelay $0x1  }
0x65: {  	v3 =	vadd.s32 v1, v3;
	_ =	sdelay $0x2  }
0x66: {  	[tilespmem:s26], [sflag:$0x1] =	stream.indirect_vreg.gather [hbm4b:s1+s3], $0x80, v4, vm0, $0xb8;
	[tilespmem:$0x3880] =	vst v63  }
0x67: {  	_ = 	snop  }
0x68: {  	[tilespmem:s28], [sflag:$0x1] =	stream.indirect_vreg.gather [hbm4b:s1+s3], $0x80, v3, vm0, $0xb8;
	[tilespmem:$0x3880] =	vst v63  }
0x69: {  	v3 =	vld [tilespmem:$0x20];
	_ =	sdelay $0x4  }
0x6a: {  	v14 =	vshll.u32 v3, $0x1  }
0x6b: {  	v3 =	vand.u32 $0x7, v3;
	v4 =	vand.u32 $0xFFFFFFF0, v14  }
0x6c: {  	v3 =	vor.u32 v3, v4  }
0x6d: {  	v4 =	vperm.xlane v3, v0;
	_ =	sdelay $0x1  }
0x6e: {  	v3 =	vperm.xlane v3, v2;
	v4 =	vadd.s32 v1, v4;
	_ =	sdelay $0x1  }
0x6f: {  	v3 =	vadd.s32 v1, v3;
	_ =	sdelay $0x2  }
0x70: {  	[tilespmem:s29], [sflag:$0x1] =	stream.indirect_vreg.gather [hbm4b:s1+s3], $0x80, v4, vm0, $0xb8;
	[tilespmem:$0x3880] =	vst v63  }
0x71: {  	_ = 	snop  }
0x72: {  	[tilespmem:s30], [sflag:$0x1] =	stream.indirect_vreg.gather [hbm4b:s1+s3], $0x80, v3, vm0, $0xb8;
	[tilespmem:$0x3880] =	vst v63  }
0x73: {  	v3 =	vld.msk [tilespmem:$0x30], $0xff;
	_ =	sdelay $0x4  }
0x74: {  	v15 =	vshll.u32 v3, $0x1  }
0x75: {  	v3 =	vand.u32 $0x7, v3;
	v4 =	vand.u32 $0xFFFFFFF0, v15  }
0x76: {  	v3 =	vor.u32 v3, v4  }
0x77: {  	v3 =	vperm.xlane v3, v0;
	_ =	sdelay $0x1  }
0x78: {  	v3 =	vadd.s32 v1, v3;
	_ =	sdelay $0x4  }
0x79: {  	[tilespmem:s31], [sflag:$0x1] =	stream.indirect_vreg.gather [hbm4b:s1+s3], $0x80, v3, vm0, $0xb8;
	[tilespmem:$0x3880] =	vst v63  }
0x7a: {  	_ =	swait.ge [sflag:s2], $0x3800  }
0x7b: {  	[sflag:s2] =	ssyncset.done $0x0  }
0x7c: {  	s0 =	rddreg [dreg:$0x9];
	[sflag:s2] =	ssyncadd.s32 $0xFFFFC800  }
0x7d: {  	[hbm4b:s0+s3] =	stream.linear.scatter [tilespmem:s24], [sflag:$0x2], $0x3800, $0x38;
	[tilespmem:$0x3880] =	vst v63  }
0x7e: {  	_ =	swait.ge [sflag:s23], $0x3800  }
0x7f: {  	[sflag:s23] =	ssyncset.done $0x0  }
0x80: {  	s0 =	rddreg [dreg:$0xa];
	[sflag:s23] =	ssyncadd.s32 $0xFFFFC800  }
0x81: {  	[tilespmem:s3], [sflag:$0x2] =	stream.linear.gather [hbm4b:s0+s3], $0x38, $0x38;
	[tilespmem:$0x3880] =	vst v63  }
0x82: {  	_ =	swait.ge [sflag:s23], $0x38  }
0x83: {  	[sflag:s23] =	ssyncset.done $0x0  }
0x84: {  	[sflag:s23] =	ssyncadd.s32 $0xFFFFFFC8  }
0x85: {  	v3 =	vld [tilespmem:$0x0];
	_ =	sdelay $0x4  }
0x86: {  	v16 =	vshll.u32 v3, $0x1  }
0x87: {  	v3 =	vand.u32 $0x7, v3;
	v4 =	vand.u32 $0xFFFFFFF0, v16  }
0x88: {  	v3 =	vor.u32 v3, v4  }
0x89: {  	v4 =	vperm.xlane v3, v0;
	_ =	sdelay $0x1  }
0x8a: {  	v3 =	vperm.xlane v3, v2;
	v4 =	vadd.s32 v1, v4;
	_ =	sdelay $0x1  }
0x8b: {  	v3 =	vadd.s32 v1, v3;
	_ =	sdelay $0x2  }
0x8c: {  	[tilespmem:s24], [sflag:$0x1] =	stream.indirect_vreg.gather [hbm4b:s1+s3], $0x80, v4, vm0, $0xb8;
	[tilespmem:$0x3880] =	vst v63  }
0x8d: {  	_ = 	snop  }
0x8e: {  	[tilespmem:s25], [sflag:$0x1] =	stream.indirect_vreg.gather [hbm4b:s1+s3], $0x80, v3, vm0, $0xb8;
	[tilespmem:$0x3880] =	vst v63  }
0x8f: {  	v3 =	vld [tilespmem:$0x10];
	_ =	sdelay $0x4  }
0x90: {  	v17 =	vshll.u32 v3, $0x1  }
0x91: {  	v3 =	vand.u32 $0x7, v3;
	v4 =	vand.u32 $0xFFFFFFF0, v17  }
0x92: {  	v3 =	vor.u32 v3, v4  }
0x93: {  	v4 =	vperm.xlane v3, v0;
	_ =	sdelay $0x1  }
0x94: {  	v3 =	vperm.xlane v3, v2;
	v4 =	vadd.s32 v1, v4;
	_ =	sdelay $0x1  }
0x95: {  	v3 =	vadd.s32 v1, v3;
	_ =	sdelay $0x2  }
0x96: {  	[tilespmem:s26], [sflag:$0x1] =	stream.indirect_vreg.gather [hbm4b:s1+s3], $0x80, v4, vm0, $0xb8;
	[tilespmem:$0x3880] =	vst v63  }
0x97: {  	_ = 	snop  }
0x98: {  	[tilespmem:s28], [sflag:$0x1] =	stream.indirect_vreg.gather [hbm4b:s1+s3], $0x80, v3, vm0, $0xb8;
	[tilespmem:$0x3880] =	vst v63  }
0x99: {  	v3 =	vld [tilespmem:$0x20];
	_ =	sdelay $0x4  }
0x9a: {  	v18 =	vshll.u32 v3, $0x1  }
0x9b: {  	v3 =	vand.u32 $0x7, v3;
	v4 =	vand.u32 $0xFFFFFFF0, v18  }
0x9c: {  	v3 =	vor.u32 v3, v4  }
0x9d: {  	v4 =	vperm.xlane v3, v0;
	_ =	sdelay $0x1  }
0x9e: {  	v3 =	vperm.xlane v3, v2;
	v4 =	vadd.s32 v1, v4;
	_ =	sdelay $0x1  }
0x9f: {  	v3 =	vadd.s32 v1, v3;
	_ =	sdelay $0x2  }
0xa0: {  	[tilespmem:s29], [sflag:$0x1] =	stream.indirect_vreg.gather [hbm4b:s1+s3], $0x80, v4, vm0, $0xb8;
	[tilespmem:$0x3880] =	vst v63  }
0xa1: {  	_ = 	snop  }
0xa2: {  	[tilespmem:s30], [sflag:$0x1] =	stream.indirect_vreg.gather [hbm4b:s1+s3], $0x80, v3, vm0, $0xb8;
	[tilespmem:$0x3880] =	vst v63  }
0xa3: {  	v3 =	vld.msk [tilespmem:$0x30], $0xff;
	_ =	sdelay $0x4  }
0xa4: {  	v19 =	vshll.u32 v3, $0x1  }
0xa5: {  	v3 =	vand.u32 $0x7, v3;
	v4 =	vand.u32 $0xFFFFFFF0, v19  }
0xa6: {  	v3 =	vor.u32 v3, v4  }
0xa7: {  	v3 =	vperm.xlane v3, v0;
	_ =	sdelay $0x1  }
0xa8: {  	v3 =	vadd.s32 v1, v3;
	_ =	sdelay $0x4  }
0xa9: {  	[tilespmem:s31], [sflag:$0x1] =	stream.indirect_vreg.gather [hbm4b:s1+s3], $0x80, v3, vm0, $0xb8;
	[tilespmem:$0x3880] =	vst v63  }
0xaa: {  	_ =	swait.ge [sflag:s2], $0x3800  }
0xab: {  	[sflag:s2] =	ssyncset.done $0x0  }
0xac: {  	s0 =	rddreg [dreg:$0xb];
	[sflag:s2] =	ssyncadd.s32 $0xFFFFC800  }
0xad: {  	[hbm4b:s0+s3] =	stream.linear.scatter [tilespmem:s24], [sflag:$0x2], $0x3800, $0x38;
	[tilespmem:$0x3880] =	vst v63  }
0xae: {  	_ =	swait.ge [sflag:s23], $0x3800  }
0xaf: {  	[sflag:s23] =	ssyncset.done $0x0  }
0xb0: {  	s0 =	rddreg [dreg:$0xc];
	[sflag:s23] =	ssyncadd.s32 $0xFFFFC800  }
0xb1: {  	[tilespmem:s3], [sflag:$0x2] =	stream.linear.gather [hbm4b:s0+s3], $0x38, $0x38;
	[tilespmem:$0x3880] =	vst v63  }
0xb2: {  	_ =	swait.ge [sflag:s23], $0x38  }
0xb3: {  	[sflag:s23] =	ssyncset.done $0x0  }
0xb4: {  	[sflag:s23] =	ssyncadd.s32 $0xFFFFFFC8  }
0xb5: {  	v3 =	vld [tilespmem:$0x0];
	_ =	sdelay $0x4  }
0xb6: {  	v20 =	vshll.u32 v3, $0x1  }
0xb7: {  	v3 =	vand.u32 $0x7, v3;
	v4 =	vand.u32 $0xFFFFFFF0, v20  }
0xb8: {  	v3 =	vor.u32 v3, v4  }
0xb9: {  	v4 =	vperm.xlane v3, v0;
	_ =	sdelay $0x1  }
0xba: {  	v3 =	vperm.xlane v3, v2;
	v4 =	vadd.s32 v1, v4;
	_ =	sdelay $0x1  }
0xbb: {  	v3 =	vadd.s32 v1, v3;
	_ =	sdelay $0x2  }
0xbc: {  	[tilespmem:s24], [sflag:$0x1] =	stream.indirect_vreg.gather [hbm4b:s1+s3], $0x80, v4, vm0, $0xb8;
	[tilespmem:$0x3880] =	vst v63  }
0xbd: {  	_ = 	snop  }
0xbe: {  	[tilespmem:s25], [sflag:$0x1] =	stream.indirect_vreg.gather [hbm4b:s1+s3], $0x80, v3, vm0, $0xb8;
	[tilespmem:$0x3880] =	vst v63  }
0xbf: {  	v3 =	vld [tilespmem:$0x10];
	_ =	sdelay $0x4  }
0xc0: {  	v21 =	vshll.u32 v3, $0x1  }
0xc1: {  	v3 =	vand.u32 $0x7, v3;
	v4 =	vand.u32 $0xFFFFFFF0, v21  }
0xc2: {  	v3 =	vor.u32 v3, v4  }
0xc3: {  	v4 =	vperm.xlane v3, v0;
	_ =	sdelay $0x1  }
0xc4: {  	v3 =	vperm.xlane v3, v2;
	v4 =	vadd.s32 v1, v4;
	_ =	sdelay $0x1  }
0xc5: {  	v3 =	vadd.s32 v1, v3;
	_ =	sdelay $0x2  }
0xc6: {  	[tilespmem:s26], [sflag:$0x1] =	stream.indirect_vreg.gather [hbm4b:s1+s3], $0x80, v4, vm0, $0xb8;
	[tilespmem:$0x3880] =	vst v63  }
0xc7: {  	_ = 	snop  }
0xc8: {  	[tilespmem:s28], [sflag:$0x1] =	stream.indirect_vreg.gather [hbm4b:s1+s3], $0x80, v3, vm0, $0xb8;
	[tilespmem:$0x3880] =	vst v63  }
0xc9: {  	v3 =	vld [tilespmem:$0x20];
	_ =	sdelay $0x4  }
0xca: {  	v22 =	vshll.u32 v3, $0x1  }
0xcb: {  	v3 =	vand.u32 $0x7, v3;
	v4 =	vand.u32 $0xFFFFFFF0, v22  }
0xcc: {  	v3 =	vor.u32 v3, v4  }
0xcd: {  	v4 =	vperm.xlane v3, v0;
	_ =	sdelay $0x1  }
0xce: {  	v3 =	vperm.xlane v3, v2;
	v4 =	vadd.s32 v1, v4;
	_ =	sdelay $0x1  }
0xcf: {  	v3 =	vadd.s32 v1, v3;
	_ =	sdelay $0x2  }
0xd0: {  	[tilespmem:s29], [sflag:$0x1] =	stream.indirect_vreg.gather [hbm4b:s1+s3], $0x80, v4, vm0, $0xb8;
	[tilespmem:$0x3880] =	vst v63  }
0xd1: {  	_ = 	snop  }
0xd2: {  	[tilespmem:s30], [sflag:$0x1] =	stream.indirect_vreg.gather [hbm4b:s1+s3], $0x80, v3, vm0, $0xb8;
	[tilespmem:$0x3880] =	vst v63  }
0xd3: {  	v3 =	vld.msk [tilespmem:$0x30], $0xff;
	_ =	sdelay $0x4  }
0xd4: {  	v23 =	vshll.u32 v3, $0x1  }
0xd5: {  	v3 =	vand.u32 $0x7, v3;
	v4 =	vand.u32 $0xFFFFFFF0, v23  }
0xd6: {  	v3 =	vor.u32 v3, v4  }
0xd7: {  	v3 =	vperm.xlane v3, v0;
	_ =	sdelay $0x1  }
0xd8: {  	v3 =	vadd.s32 v1, v3;
	_ =	sdelay $0x4  }
0xd9: {  	[tilespmem:s31], [sflag:$0x1] =	stream.indirect_vreg.gather [hbm4b:s1+s3], $0x80, v3, vm0, $0xb8;
	[tilespmem:$0x3880] =	vst v63  }
0xda: {  	_ =	swait.ge [sflag:s2], $0x3800  }
0xdb: {  	[sflag:s2] =	ssyncset.done $0x0  }
0xdc: {  	s0 =	rddreg [dreg:$0xd];
	[sflag:s2] =	ssyncadd.s32 $0xFFFFC800  }
0xdd: {  	[hbm4b:s0+s3] =	stream.linear.scatter [tilespmem:s24], [sflag:$0x2], $0x3800, $0x38;
	[tilespmem:$0x3880] =	vst v63  }
0xde: {  	_ =	swait.ge [sflag:s23], $0x3800  }
0xdf: {  	[sflag:s23] =	ssyncset.done $0x0  }
0xe0: {  	s0 =	rddreg [dreg:$0xe];
	[sflag:s23] =	ssyncadd.s32 $0xFFFFC800  }
0xe1: {  	[tilespmem:s3], [sflag:$0x2] =	stream.linear.gather [hbm4b:s0+s3], $0x38, $0x38;
	[tilespmem:$0x3880] =	vst v63  }
0xe2: {  	_ =	swait.ge [sflag:s23], $0x38  }
0xe3: {  	[sflag:s23] =	ssyncset.done $0x0  }
0xe4: {  	[sflag:s23] =	ssyncadd.s32 $0xFFFFFFC8  }
0xe5: {  	v3 =	vld [tilespmem:$0x0];
	_ =	sdelay $0x4  }
0xe6: {  	v24 =	vshll.u32 v3, $0x1  }
0xe7: {  	v3 =	vand.u32 $0x7, v3;
	v4 =	vand.u32 $0xFFFFFFF0, v24  }
0xe8: {  	v3 =	vor.u32 v3, v4  }
0xe9: {  	v4 =	vperm.xlane v3, v0;
	_ =	sdelay $0x1  }
0xea: {  	v3 =	vperm.xlane v3, v2;
	v4 =	vadd.s32 v1, v4;
	_ =	sdelay $0x1  }
0xeb: {  	v3 =	vadd.s32 v1, v3;
	_ =	sdelay $0x2  }
0xec: {  	[tilespmem:s24], [sflag:$0x1] =	stream.indirect_vreg.gather [hbm4b:s1+s3], $0x80, v4, vm0, $0xb8;
	[tilespmem:$0x3880] =	vst v63  }
0xed: {  	_ = 	snop  }
0xee: {  	[tilespmem:s25], [sflag:$0x1] =	stream.indirect_vreg.gather [hbm4b:s1+s3], $0x80, v3, vm0, $0xb8;
	[tilespmem:$0x3880] =	vst v63  }
0xef: {  	v3 =	vld [tilespmem:$0x10];
	_ =	sdelay $0x4  }
0xf0: {  	v25 =	vshll.u32 v3, $0x1  }
0xf1: {  	v3 =	vand.u32 $0x7, v3;
	v4 =	vand.u32 $0xFFFFFFF0, v25  }
0xf2: {  	v3 =	vor.u32 v3, v4  }
0xf3: {  	v4 =	vperm.xlane v3, v0;
	_ =	sdelay $0x1  }
0xf4: {  	v3 =	vperm.xlane v3, v2;
	v4 =	vadd.s32 v1, v4;
	_ =	sdelay $0x1  }
0xf5: {  	v3 =	vadd.s32 v1, v3;
	_ =	sdelay $0x2  }
0xf6: {  	[tilespmem:s26], [sflag:$0x1] =	stream.indirect_vreg.gather [hbm4b:s1+s3], $0x80, v4, vm0, $0xb8;
	[tilespmem:$0x3880] =	vst v63  }
0xf7: {  	_ = 	snop  }
0xf8: {  	[tilespmem:s28], [sflag:$0x1] =	stream.indirect_vreg.gather [hbm4b:s1+s3], $0x80, v3, vm0, $0xb8;
	[tilespmem:$0x3880] =	vst v63  }
0xf9: {  	v3 =	vld [tilespmem:$0x20];
	_ =	sdelay $0x4  }
0xfa: {  	v26 =	vshll.u32 v3, $0x1  }
0xfb: {  	v3 =	vand.u32 $0x7, v3;
	v4 =	vand.u32 $0xFFFFFFF0, v26  }
0xfc: {  	v3 =	vor.u32 v3, v4  }
0xfd: {  	v4 =	vperm.xlane v3, v0;
	_ =	sdelay $0x1  }
0xfe: {  	v3 =	vperm.xlane v3, v2;
	v4 =	vadd.s32 v1, v4;
	_ =	sdelay $0x1  }
0xff: {  	v3 =	vadd.s32 v1, v3;
	_ =	sdelay $0x2  }
0x100: {  	[tilespmem:s29], [sflag:$0x1] =	stream.indirect_vreg.gather [hbm4b:s1+s3], $0x80, v4, vm0, $0xb8;
	[tilespmem:$0x3880] =	vst v63  }
0x101: {  	_ = 	snop  }
0x102: {  	[tilespmem:s30], [sflag:$0x1] =	stream.indirect_vreg.gather [hbm4b:s1+s3], $0x80, v3, vm0, $0xb8;
	[tilespmem:$0x3880] =	vst v63  }
0x103: {  	v3 =	vld.msk [tilespmem:$0x30], $0xff;
	_ =	sdelay $0x4  }
0x104: {  	v27 =	vshll.u32 v3, $0x1  }
0x105: {  	v3 =	vand.u32 $0x7, v3;
	v4 =	vand.u32 $0xFFFFFFF0, v27  }
0x106: {  	v3 =	vor.u32 v3, v4  }
0x107: {  	v3 =	vperm.xlane v3, v0;
	_ =	sdelay $0x1  }
0x108: {  	v3 =	vadd.s32 v1, v3;
	_ =	sdelay $0x4  }
0x109: {  	[tilespmem:s31], [sflag:$0x1] =	stream.indirect_vreg.gather [hbm4b:s1+s3], $0x80, v3, vm0, $0xb8;
	[tilespmem:$0x3880] =	vst v63  }
0x10a: {  	_ =	swait.ge [sflag:s2], $0x3800  }
0x10b: {  	[sflag:s2] =	ssyncset.done $0x0  }
0x10c: {  	s0 =	rddreg [dreg:$0xf];
	[sflag:s2] =	ssyncadd.s32 $0xFFFFC800  }
0x10d: {  	[hbm4b:s0+s3] =	stream.linear.scatter [tilespmem:s24], [sflag:$0x2], $0x3800, $0x38;
	[tilespmem:$0x3880] =	vst v63  }
0x10e: {  	_ =	swait.ge [sflag:s23], $0x3800  }
0x10f: {  	[sflag:s23] =	ssyncset.done $0x0  }
0x110: {  	[sflag:s23] =	ssyncadd.s32 $0xFFFFC800  }
0x111: {  	[tilespmem:s3], [sflag:$0x2] =	stream.linear.gather [hbm4b:s4+s3], $0x38, $0x38;
	[tilespmem:$0x3880] =	vst v63  }
0x112: {  	_ =	swait.ge [sflag:s23], $0x38  }
0x113: {  	[sflag:s23] =	ssyncset.done $0x0  }
0x114: {  	[sflag:s23] =	ssyncadd.s32 $0xFFFFFFC8  }
0x115: {  	v3 =	vld [tilespmem:$0x0];
	_ =	sdelay $0x4  }
0x116: {  	v28 =	vshll.u32 v3, $0x1  }
0x117: {  	v3 =	vand.u32 $0x7, v3;
	v4 =	vand.u32 $0xFFFFFFF0, v28  }
0x118: {  	v3 =	vor.u32 v3, v4  }
0x119: {  	v4 =	vperm.xlane v3, v0;
	_ =	sdelay $0x1  }
0x11a: {  	v3 =	vperm.xlane v3, v2;
	v4 =	vadd.s32 v1, v4;
	_ =	sdelay $0x1  }
0x11b: {  	v3 =	vadd.s32 v1, v3;
	_ =	sdelay $0x2  }
0x11c: {  	[tilespmem:s24], [sflag:$0x1] =	stream.indirect_vreg.gather [hbm4b:s1+s3], $0x80, v4, vm0, $0xb8;
	[tilespmem:$0x3880] =	vst v63  }
0x11d: {  	_ = 	snop  }
0x11e: {  	[tilespmem:s25], [sflag:$0x1] =	stream.indirect_vreg.gather [hbm4b:s1+s3], $0x80, v3, vm0, $0xb8;
	[tilespmem:$0x3880] =	vst v63  }
0x11f: {  	v3 =	vld [tilespmem:$0x10];
	_ =	sdelay $0x4  }
0x120: {  	v29 =	vshll.u32 v3, $0x1  }
0x121: {  	v3 =	vand.u32 $0x7, v3;
	v4 =	vand.u32 $0xFFFFFFF0, v29  }
0x122: {  	v3 =	vor.u32 v3, v4  }
0x123: {  	v4 =	vperm.xlane v3, v0;
	_ =	sdelay $0x1  }
0x124: {  	v3 =	vperm.xlane v3, v2;
	v4 =	vadd.s32 v1, v4;
	_ =	sdelay $0x1  }
0x125: {  	v3 =	vadd.s32 v1, v3;
	_ =	sdelay $0x2  }
0x126: {  	[tilespmem:s26], [sflag:$0x1] =	stream.indirect_vreg.gather [hbm4b:s1+s3], $0x80, v4, vm0, $0xb8;
	[tilespmem:$0x3880] =	vst v63  }
0x127: {  	_ = 	snop  }
0x128: {  	[tilespmem:s28], [sflag:$0x1] =	stream.indirect_vreg.gather [hbm4b:s1+s3], $0x80, v3, vm0, $0xb8;
	[tilespmem:$0x3880] =	vst v63  }
0x129: {  	v3 =	vld [tilespmem:$0x20];
	_ =	sdelay $0x4  }
0x12a: {  	v30 =	vshll.u32 v3, $0x1  }
0x12b: {  	v3 =	vand.u32 $0x7, v3;
	v4 =	vand.u32 $0xFFFFFFF0, v30  }
0x12c: {  	v3 =	vor.u32 v3, v4  }
0x12d: {  	v4 =	vperm.xlane v3, v0;
	_ =	sdelay $0x1  }
0x12e: {  	v3 =	vperm.xlane v3, v2;
	v4 =	vadd.s32 v1, v4;
	_ =	sdelay $0x1  }
0x12f: {  	v3 =	vadd.s32 v1, v3;
	_ =	sdelay $0x2  }
0x130: {  	[tilespmem:s29], [sflag:$0x1] =	stream.indirect_vreg.gather [hbm4b:s1+s3], $0x80, v4, vm0, $0xb8;
	[tilespmem:$0x3880] =	vst v63  }
0x131: {  	_ = 	snop  }
0x132: {  	[tilespmem:s30], [sflag:$0x1] =	stream.indirect_vreg.gather [hbm4b:s1+s3], $0x80, v3, vm0, $0xb8;
	[tilespmem:$0x3880] =	vst v63  }
0x133: {  	v3 =	vld.msk [tilespmem:$0x30], $0xff;
	_ =	sdelay $0x4  }
0x134: {  	v31 =	vshll.u32 v3, $0x1  }
0x135: {  	v3 =	vand.u32 $0x7, v3;
	v4 =	vand.u32 $0xFFFFFFF0, v31  }
0x136: {  	v3 =	vor.u32 v3, v4  }
0x137: {  	v3 =	vperm.xlane v3, v0;
	_ =	sdelay $0x1  }
0x138: {  	v3 =	vadd.s32 v1, v3;
	_ =	sdelay $0x4  }
0x139: {  	[tilespmem:s31], [sflag:$0x1] =	stream.indirect_vreg.gather [hbm4b:s1+s3], $0x80, v3, vm0, $0xb8;
	[tilespmem:$0x3880] =	vst v63  }
0x13a: {  	_ =	swait.ge [sflag:s2], $0x3800  }
0x13b: {  	[sflag:s2] =	ssyncset.done $0x0  }
0x13c: {  	[sflag:s2] =	ssyncadd.s32 $0xFFFFC800  }
0x13d: {  	[hbm4b:s5+s3] =	stream.linear.scatter [tilespmem:s24], [sflag:$0x2], $0x3800, $0x38;
	[tilespmem:$0x3880] =	vst v63  }
0x13e: {  	_ =	swait.ge [sflag:s23], $0x3800  }
0x13f: {  	[sflag:s23] =	ssyncset.done $0x0  }
0x140: {  	[sflag:s23] =	ssyncadd.s32 $0xFFFFC800  }
0x141: {  	[tilespmem:s3], [sflag:$0x2] =	stream.linear.gather [hbm4b:s6+s3], $0x38, $0x38;
	[tilespmem:$0x3880] =	vst v63  }
0x142: {  	_ =	swait.ge [sflag:s23], $0x38  }
0x143: {  	[sflag:s23] =	ssyncset.done $0x0  }
0x144: {  	[sflag:s23] =	ssyncadd.s32 $0xFFFFFFC8  }
0x145: {  	v3 =	vld [tilespmem:$0x0];
	_ =	sdelay $0x4  }
0x146: {  	v32 =	vshll.u32 v3, $0x1  }
0x147: {  	v3 =	vand.u32 $0x7, v3;
	v4 =	vand.u32 $0xFFFFFFF0, v32  }
0x148: {  	v3 =	vor.u32 v3, v4  }
0x149: {  	v4 =	vperm.xlane v3, v0;
	_ =	sdelay $0x1  }
0x14a: {  	v3 =	vperm.xlane v3, v2;
	v4 =	vadd.s32 v1, v4;
	_ =	sdelay $0x1  }
0x14b: {  	v3 =	vadd.s32 v1, v3;
	_ =	sdelay $0x2  }
0x14c: {  	[tilespmem:s24], [sflag:$0x1] =	stream.indirect_vreg.gather [hbm4b:s1+s3], $0x80, v4, vm0, $0xb8;
	[tilespmem:$0x3880] =	vst v63  }
0x14d: {  	_ = 	snop  }
0x14e: {  	[tilespmem:s25], [sflag:$0x1] =	stream.indirect_vreg.gather [hbm4b:s1+s3], $0x80, v3, vm0, $0xb8;
	[tilespmem:$0x3880] =	vst v63  }
0x14f: {  	v3 =	vld [tilespmem:$0x10];
	_ =	sdelay $0x4  }
0x150: {  	v33 =	vshll.u32 v3, $0x1  }
0x151: {  	v3 =	vand.u32 $0x7, v3;
	v4 =	vand.u32 $0xFFFFFFF0, v33  }
0x152: {  	v3 =	vor.u32 v3, v4  }
0x153: {  	v4 =	vperm.xlane v3, v0;
	_ =	sdelay $0x1  }
0x154: {  	v3 =	vperm.xlane v3, v2;
	v4 =	vadd.s32 v1, v4;
	_ =	sdelay $0x1  }
0x155: {  	v3 =	vadd.s32 v1, v3;
	_ =	sdelay $0x2  }
0x156: {  	[tilespmem:s26], [sflag:$0x1] =	stream.indirect_vreg.gather [hbm4b:s1+s3], $0x80, v4, vm0, $0xb8;
	[tilespmem:$0x3880] =	vst v63  }
0x157: {  	_ = 	snop  }
0x158: {  	[tilespmem:s28], [sflag:$0x1] =	stream.indirect_vreg.gather [hbm4b:s1+s3], $0x80, v3, vm0, $0xb8;
	[tilespmem:$0x3880] =	vst v63  }
0x159: {  	v3 =	vld [tilespmem:$0x20];
	_ =	sdelay $0x4  }
0x15a: {  	v34 =	vshll.u32 v3, $0x1  }
0x15b: {  	v3 =	vand.u32 $0x7, v3;
	v4 =	vand.u32 $0xFFFFFFF0, v34  }
0x15c: {  	v3 =	vor.u32 v3, v4  }
0x15d: {  	v4 =	vperm.xlane v3, v0;
	_ =	sdelay $0x1  }
0x15e: {  	v3 =	vperm.xlane v3, v2;
	v4 =	vadd.s32 v1, v4;
	_ =	sdelay $0x1  }
0x15f: {  	v3 =	vadd.s32 v1, v3;
	_ =	sdelay $0x2  }
0x160: {  	[tilespmem:s29], [sflag:$0x1] =	stream.indirect_vreg.gather [hbm4b:s1+s3], $0x80, v4, vm0, $0xb8;
	[tilespmem:$0x3880] =	vst v63  }
0x161: {  	_ = 	snop  }
0x162: {  	[tilespmem:s30], [sflag:$0x1] =	stream.indirect_vreg.gather [hbm4b:s1+s3], $0x80, v3, vm0, $0xb8;
	[tilespmem:$0x3880] =	vst v63  }
0x163: {  	v3 =	vld.msk [tilespmem:$0x30], $0xff;
	_ =	sdelay $0x4  }
0x164: {  	v35 =	vshll.u32 v3, $0x1  }
0x165: {  	v3 =	vand.u32 $0x7, v3;
	v4 =	vand.u32 $0xFFFFFFF0, v35  }
0x166: {  	v3 =	vor.u32 v3, v4  }
0x167: {  	v3 =	vperm.xlane v3, v0;
	_ =	sdelay $0x1  }
0x168: {  	v3 =	vadd.s32 v1, v3;
	_ =	sdelay $0x4  }
0x169: {  	[tilespmem:s31], [sflag:$0x1] =	stream.indirect_vreg.gather [hbm4b:s1+s3], $0x80, v3, vm0, $0xb8;
	[tilespmem:$0x3880] =	vst v63  }
0x16a: {  	_ =	swait.ge [sflag:s2], $0x3800  }
0x16b: {  	[sflag:s2] =	ssyncset.done $0x0  }
0x16c: {  	[sflag:s2] =	ssyncadd.s32 $0xFFFFC800  }
0x16d: {  	[hbm4b:s7+s3] =	stream.linear.scatter [tilespmem:s24], [sflag:$0x2], $0x3800, $0x38;
	[tilespmem:$0x3880] =	vst v63  }
0x16e: {  	_ =	swait.ge [sflag:s23], $0x3800  }
0x16f: {  	[sflag:s23] =	ssyncset.done $0x0  }
0x170: {  	[sflag:s23] =	ssyncadd.s32 $0xFFFFC800  }
0x171: {  	[tilespmem:s3], [sflag:$0x2] =	stream.linear.gather [hbm4b:s8+s3], $0x38, $0x38;
	[tilespmem:$0x3880] =	vst v63  }
0x172: {  	_ =	swait.ge [sflag:s23], $0x38  }
0x173: {  	[sflag:s23] =	ssyncset.done $0x0  }
0x174: {  	[sflag:s23] =	ssyncadd.s32 $0xFFFFFFC8  }
0x175: {  	v3 =	vld [tilespmem:$0x0];
	_ =	sdelay $0x4  }
0x176: {  	v36 =	vshll.u32 v3, $0x1  }
0x177: {  	v3 =	vand.u32 $0x7, v3;
	v4 =	vand.u32 $0xFFFFFFF0, v36  }
0x178: {  	v3 =	vor.u32 v3, v4  }
0x179: {  	v4 =	vperm.xlane v3, v0;
	_ =	sdelay $0x1  }
0x17a: {  	v3 =	vperm.xlane v3, v2;
	v4 =	vadd.s32 v1, v4;
	_ =	sdelay $0x1  }
0x17b: {  	v3 =	vadd.s32 v1, v3;
	_ =	sdelay $0x2  }
0x17c: {  	[tilespmem:s24], [sflag:$0x1] =	stream.indirect_vreg.gather [hbm4b:s1+s3], $0x80, v4, vm0, $0xb8;
	[tilespmem:$0x3880] =	vst v63  }
0x17d: {  	_ = 	snop  }
0x17e: {  	[tilespmem:s25], [sflag:$0x1] =	stream.indirect_vreg.gather [hbm4b:s1+s3], $0x80, v3, vm0, $0xb8;
	[tilespmem:$0x3880] =	vst v63  }
0x17f: {  	v3 =	vld [tilespmem:$0x10];
	_ =	sdelay $0x4  }
0x180: {  	v37 =	vshll.u32 v3, $0x1  }
0x181: {  	v3 =	vand.u32 $0x7, v3;
	v4 =	vand.u32 $0xFFFFFFF0, v37  }
0x182: {  	v3 =	vor.u32 v3, v4  }
0x183: {  	v4 =	vperm.xlane v3, v0;
	_ =	sdelay $0x1  }
0x184: {  	v3 =	vperm.xlane v3, v2;
	v4 =	vadd.s32 v1, v4;
	_ =	sdelay $0x1  }
0x185: {  	v3 =	vadd.s32 v1, v3;
	_ =	sdelay $0x2  }
0x186: {  	[tilespmem:s26], [sflag:$0x1] =	stream.indirect_vreg.gather [hbm4b:s1+s3], $0x80, v4, vm0, $0xb8;
	[tilespmem:$0x3880] =	vst v63  }
0x187: {  	_ = 	snop  }
0x188: {  	[tilespmem:s28], [sflag:$0x1] =	stream.indirect_vreg.gather [hbm4b:s1+s3], $0x80, v3, vm0, $0xb8;
	[tilespmem:$0x3880] =	vst v63  }
0x189: {  	v3 =	vld [tilespmem:$0x20];
	_ =	sdelay $0x4  }
0x18a: {  	v38 =	vshll.u32 v3, $0x1  }
0x18b: {  	v3 =	vand.u32 $0x7, v3;
	v4 =	vand.u32 $0xFFFFFFF0, v38  }
0x18c: {  	v3 =	vor.u32 v3, v4  }
0x18d: {  	v4 =	vperm.xlane v3, v0;
	_ =	sdelay $0x1  }
0x18e: {  	v3 =	vperm.xlane v3, v2;
	v4 =	vadd.s32 v1, v4;
	_ =	sdelay $0x1  }
0x18f: {  	v3 =	vadd.s32 v1, v3;
	_ =	sdelay $0x2  }
0x190: {  	[tilespmem:s29], [sflag:$0x1] =	stream.indirect_vreg.gather [hbm4b:s1+s3], $0x80, v4, vm0, $0xb8;
	[tilespmem:$0x3880] =	vst v63  }
0x191: {  	_ = 	snop  }
0x192: {  	[tilespmem:s30], [sflag:$0x1] =	stream.indirect_vreg.gather [hbm4b:s1+s3], $0x80, v3, vm0, $0xb8;
	[tilespmem:$0x3880] =	vst v63  }
0x193: {  	v3 =	vld.msk [tilespmem:$0x30], $0xff;
	_ =	sdelay $0x4  }
0x194: {  	v39 =	vshll.u32 v3, $0x1  }
0x195: {  	v3 =	vand.u32 $0x7, v3;
	v4 =	vand.u32 $0xFFFFFFF0, v39  }
0x196: {  	v3 =	vor.u32 v3, v4  }
0x197: {  	v3 =	vperm.xlane v3, v0;
	_ =	sdelay $0x1  }
0x198: {  	v3 =	vadd.s32 v1, v3;
	_ =	sdelay $0x4  }
0x199: {  	[tilespmem:s31], [sflag:$0x1] =	stream.indirect_vreg.gather [hbm4b:s1+s3], $0x80, v3, vm0, $0xb8;
	[tilespmem:$0x3880] =	vst v63  }
0x19a: {  	_ =	swait.ge [sflag:s2], $0x3800  }
0x19b: {  	[sflag:s2] =	ssyncset.done $0x0  }
0x19c: {  	[sflag:s2] =	ssyncadd.s32 $0xFFFFC800  }
0x19d: {  	[hbm4b:s9+s3] =	stream.linear.scatter [tilespmem:s24], [sflag:$0x2], $0x3800, $0x38;
	[tilespmem:$0x3880] =	vst v63  }
0x19e: {  	_ =	swait.ge [sflag:s23], $0x3800  }
0x19f: {  	[sflag:s23] =	ssyncset.done $0x0  }
0x1a0: {  	[sflag:s23] =	ssyncadd.s32 $0xFFFFC800  }
0x1a1: {  	[tilespmem:s3], [sflag:$0x2] =	stream.linear.gather [hbm4b:s10+s3], $0x38, $0x38;
	[tilespmem:$0x3880] =	vst v63  }
0x1a2: {  	_ =	swait.ge [sflag:s23], $0x38  }
0x1a3: {  	[sflag:s23] =	ssyncset.done $0x0  }
0x1a4: {  	[sflag:s23] =	ssyncadd.s32 $0xFFFFFFC8  }
0x1a5: {  	v3 =	vld [tilespmem:$0x0];
	_ =	sdelay $0x4  }
0x1a6: {  	v40 =	vshll.u32 v3, $0x1  }
0x1a7: {  	v3 =	vand.u32 $0x7, v3;
	v4 =	vand.u32 $0xFFFFFFF0, v40  }
0x1a8: {  	v3 =	vor.u32 v3, v4  }
0x1a9: {  	v4 =	vperm.xlane v3, v0;
	_ =	sdelay $0x1  }
0x1aa: {  	v3 =	vperm.xlane v3, v2;
	v4 =	vadd.s32 v1, v4;
	_ =	sdelay $0x1  }
0x1ab: {  	v3 =	vadd.s32 v1, v3;
	_ =	sdelay $0x2  }
0x1ac: {  	[tilespmem:s24], [sflag:$0x1] =	stream.indirect_vreg.gather [hbm4b:s1+s3], $0x80, v4, vm0, $0xb8;
	[tilespmem:$0x3880] =	vst v63  }
0x1ad: {  	_ = 	snop  }
0x1ae: {  	[tilespmem:s25], [sflag:$0x1] =	stream.indirect_vreg.gather [hbm4b:s1+s3], $0x80, v3, vm0, $0xb8;
	[tilespmem:$0x3880] =	vst v63  }
0x1af: {  	v3 =	vld [tilespmem:$0x10];
	_ =	sdelay $0x4  }
0x1b0: {  	v41 =	vshll.u32 v3, $0x1  }
0x1b1: {  	v3 =	vand.u32 $0x7, v3;
	v4 =	vand.u32 $0xFFFFFFF0, v41  }
0x1b2: {  	v3 =	vor.u32 v3, v4  }
0x1b3: {  	v4 =	vperm.xlane v3, v0;
	_ =	sdelay $0x1  }
0x1b4: {  	v3 =	vperm.xlane v3, v2;
	v4 =	vadd.s32 v1, v4;
	_ =	sdelay $0x1  }
0x1b5: {  	v3 =	vadd.s32 v1, v3;
	_ =	sdelay $0x2  }
0x1b6: {  	[tilespmem:s26], [sflag:$0x1] =	stream.indirect_vreg.gather [hbm4b:s1+s3], $0x80, v4, vm0, $0xb8;
	[tilespmem:$0x3880] =	vst v63  }
0x1b7: {  	_ = 	snop  }
0x1b8: {  	[tilespmem:s28], [sflag:$0x1] =	stream.indirect_vreg.gather [hbm4b:s1+s3], $0x80, v3, vm0, $0xb8;
	[tilespmem:$0x3880] =	vst v63  }
0x1b9: {  	v3 =	vld [tilespmem:$0x20];
	_ =	sdelay $0x4  }
0x1ba: {  	v42 =	vshll.u32 v3, $0x1  }
0x1bb: {  	v3 =	vand.u32 $0x7, v3;
	v4 =	vand.u32 $0xFFFFFFF0, v42  }
0x1bc: {  	v3 =	vor.u32 v3, v4  }
0x1bd: {  	v4 =	vperm.xlane v3, v0;
	_ =	sdelay $0x1  }
0x1be: {  	v3 =	vperm.xlane v3, v2;
	v4 =	vadd.s32 v1, v4;
	_ =	sdelay $0x1  }
0x1bf: {  	v3 =	vadd.s32 v1, v3;
	_ =	sdelay $0x2  }
0x1c0: {  	[tilespmem:s29], [sflag:$0x1] =	stream.indirect_vreg.gather [hbm4b:s1+s3], $0x80, v4, vm0, $0xb8;
	[tilespmem:$0x3880] =	vst v63  }
0x1c1: {  	_ = 	snop  }
0x1c2: {  	[tilespmem:s30], [sflag:$0x1] =	stream.indirect_vreg.gather [hbm4b:s1+s3], $0x80, v3, vm0, $0xb8;
	[tilespmem:$0x3880] =	vst v63  }
0x1c3: {  	v3 =	vld.msk [tilespmem:$0x30], $0xff;
	_ =	sdelay $0x4  }
0x1c4: {  	v43 =	vshll.u32 v3, $0x1  }
0x1c5: {  	v3 =	vand.u32 $0x7, v3;
	v4 =	vand.u32 $0xFFFFFFF0, v43  }
0x1c6: {  	v3 =	vor.u32 v3, v4  }
0x1c7: {  	v3 =	vperm.xlane v3, v0;
	_ =	sdelay $0x1  }
0x1c8: {  	v3 =	vadd.s32 v1, v3;
	_ =	sdelay $0x4  }
0x1c9: {  	[tilespmem:s31], [sflag:$0x1] =	stream.indirect_vreg.gather [hbm4b:s1+s3], $0x80, v3, vm0, $0xb8;
	[tilespmem:$0x3880] =	vst v63  }
0x1ca: {  	_ =	swait.ge [sflag:s2], $0x3800  }
0x1cb: {  	[sflag:s2] =	ssyncset.done $0x0  }
0x1cc: {  	[sflag:s2] =	ssyncadd.s32 $0xFFFFC800  }
0x1cd: {  	[hbm4b:s11+s3] =	stream.linear.scatter [tilespmem:s24], [sflag:$0x2], $0x3800, $0x38;
	[tilespmem:$0x3880] =	vst v63  }
0x1ce: {  	_ =	swait.ge [sflag:s23], $0x3800  }
0x1cf: {  	[sflag:s23] =	ssyncset.done $0x0  }
0x1d0: {  	[sflag:s23] =	ssyncadd.s32 $0xFFFFC800  }
0x1d1: {  	[tilespmem:s3], [sflag:$0x2] =	stream.linear.gather [hbm4b:s12+s3], $0x38, $0x38;
	[tilespmem:$0x3880] =	vst v63  }
0x1d2: {  	_ =	swait.ge [sflag:s23], $0x38  }
0x1d3: {  	[sflag:s23] =	ssyncset.done $0x0  }
0x1d4: {  	[sflag:s23] =	ssyncadd.s32 $0xFFFFFFC8  }
0x1d5: {  	v3 =	vld [tilespmem:$0x0];
	_ =	sdelay $0x4  }
0x1d6: {  	v44 =	vshll.u32 v3, $0x1  }
0x1d7: {  	v3 =	vand.u32 $0x7, v3;
	v4 =	vand.u32 $0xFFFFFFF0, v44  }
0x1d8: {  	v3 =	vor.u32 v3, v4  }
0x1d9: {  	v4 =	vperm.xlane v3, v0;
	_ =	sdelay $0x1  }
0x1da: {  	v3 =	vperm.xlane v3, v2;
	v4 =	vadd.s32 v1, v4;
	_ =	sdelay $0x1  }
0x1db: {  	v3 =	vadd.s32 v1, v3;
	_ =	sdelay $0x2  }
0x1dc: {  	[tilespmem:s24], [sflag:$0x1] =	stream.indirect_vreg.gather [hbm4b:s1+s3], $0x80, v4, vm0, $0xb8;
	[tilespmem:$0x3880] =	vst v63  }
0x1dd: {  	_ = 	snop  }
0x1de: {  	[tilespmem:s25], [sflag:$0x1] =	stream.indirect_vreg.gather [hbm4b:s1+s3], $0x80, v3, vm0, $0xb8;
	[tilespmem:$0x3880] =	vst v63  }
0x1df: {  	v3 =	vld [tilespmem:$0x10];
	_ =	sdelay $0x4  }
0x1e0: {  	v45 =	vshll.u32 v3, $0x1  }
0x1e1: {  	v3 =	vand.u32 $0x7, v3;
	v4 =	vand.u32 $0xFFFFFFF0, v45  }
0x1e2: {  	v3 =	vor.u32 v3, v4  }
0x1e3: {  	v4 =	vperm.xlane v3, v0;
	_ =	sdelay $0x1  }
0x1e4: {  	v3 =	vperm.xlane v3, v2;
	v4 =	vadd.s32 v1, v4;
	_ =	sdelay $0x1  }
0x1e5: {  	v3 =	vadd.s32 v1, v3;
	_ =	sdelay $0x2  }
0x1e6: {  	[tilespmem:s26], [sflag:$0x1] =	stream.indirect_vreg.gather [hbm4b:s1+s3], $0x80, v4, vm0, $0xb8;
	[tilespmem:$0x3880] =	vst v63  }
0x1e7: {  	_ = 	snop  }
0x1e8: {  	[tilespmem:s28], [sflag:$0x1] =	stream.indirect_vreg.gather [hbm4b:s1+s3], $0x80, v3, vm0, $0xb8;
	[tilespmem:$0x3880] =	vst v63  }
0x1e9: {  	v3 =	vld [tilespmem:$0x20];
	_ =	sdelay $0x4  }
0x1ea: {  	v46 =	vshll.u32 v3, $0x1  }
0x1eb: {  	v3 =	vand.u32 $0x7, v3;
	v4 =	vand.u32 $0xFFFFFFF0, v46  }
0x1ec: {  	v3 =	vor.u32 v3, v4  }
0x1ed: {  	v4 =	vperm.xlane v3, v0;
	_ =	sdelay $0x1  }
0x1ee: {  	v3 =	vperm.xlane v3, v2;
	v4 =	vadd.s32 v1, v4;
	_ =	sdelay $0x1  }
0x1ef: {  	v3 =	vadd.s32 v1, v3;
	_ =	sdelay $0x2  }
0x1f0: {  	[tilespmem:s29], [sflag:$0x1] =	stream.indirect_vreg.gather [hbm4b:s1+s3], $0x80, v4, vm0, $0xb8;
	[tilespmem:$0x3880] =	vst v63  }
0x1f1: {  	_ = 	snop  }
0x1f2: {  	[tilespmem:s30], [sflag:$0x1] =	stream.indirect_vreg.gather [hbm4b:s1+s3], $0x80, v3, vm0, $0xb8;
	[tilespmem:$0x3880] =	vst v63  }
0x1f3: {  	v3 =	vld.msk [tilespmem:$0x30], $0xff;
	_ =	sdelay $0x4  }
0x1f4: {  	v47 =	vshll.u32 v3, $0x1  }
0x1f5: {  	v3 =	vand.u32 $0x7, v3;
	v4 =	vand.u32 $0xFFFFFFF0, v47  }
0x1f6: {  	v3 =	vor.u32 v3, v4  }
0x1f7: {  	v3 =	vperm.xlane v3, v0;
	_ =	sdelay $0x1  }
0x1f8: {  	v3 =	vadd.s32 v1, v3;
	_ =	sdelay $0x4  }
0x1f9: {  	[tilespmem:s31], [sflag:$0x1] =	stream.indirect_vreg.gather [hbm4b:s1+s3], $0x80, v3, vm0, $0xb8;
	[tilespmem:$0x3880] =	vst v63  }
0x1fa: {  	_ =	swait.ge [sflag:s2], $0x3800  }
0x1fb: {  	[sflag:s2] =	ssyncset.done $0x0  }
0x1fc: {  	[sflag:s2] =	ssyncadd.s32 $0xFFFFC800  }
0x1fd: {  	[hbm4b:s13+s3] =	stream.linear.scatter [tilespmem:s24], [sflag:$0x2], $0x3800, $0x38;
	[tilespmem:$0x3880] =	vst v63  }
0x1fe: {  	_ =	swait.ge [sflag:s23], $0x3800  }
0x1ff: {  	[sflag:s23] =	ssyncset.done $0x0  }
0x200: {  	[sflag:s23] =	ssyncadd.s32 $0xFFFFC800  }
0x201: {  	[tilespmem:s3], [sflag:$0x2] =	stream.linear.gather [hbm4b:s14+s3], $0x38, $0x38;
	[tilespmem:$0x3880] =	vst v63  }
0x202: {  	_ =	swait.ge [sflag:s23], $0x38  }
0x203: {  	[sflag:s23] =	ssyncset.done $0x0  }
0x204: {  	[sflag:s23] =	ssyncadd.s32 $0xFFFFFFC8  }
0x205: {  	v3 =	vld [tilespmem:$0x0];
	_ =	sdelay $0x4  }
0x206: {  	v48 =	vshll.u32 v3, $0x1  }
0x207: {  	v3 =	vand.u32 $0x7, v3;
	v4 =	vand.u32 $0xFFFFFFF0, v48  }
0x208: {  	v3 =	vor.u32 v3, v4  }
0x209: {  	v4 =	vperm.xlane v3, v0;
	_ =	sdelay $0x1  }
0x20a: {  	v3 =	vperm.xlane v3, v2;
	v4 =	vadd.s32 v1, v4;
	_ =	sdelay $0x1  }
0x20b: {  	v3 =	vadd.s32 v1, v3;
	_ =	sdelay $0x2  }
0x20c: {  	[tilespmem:s24], [sflag:$0x1] =	stream.indirect_vreg.gather [hbm4b:s1+s3], $0x80, v4, vm0, $0xb8;
	[tilespmem:$0x3880] =	vst v63  }
0x20d: {  	_ = 	snop  }
0x20e: {  	[tilespmem:s25], [sflag:$0x1] =	stream.indirect_vreg.gather [hbm4b:s1+s3], $0x80, v3, vm0, $0xb8;
	[tilespmem:$0x3880] =	vst v63  }
0x20f: {  	v3 =	vld [tilespmem:$0x10];
	_ =	sdelay $0x4  }
0x210: {  	v49 =	vshll.u32 v3, $0x1  }
0x211: {  	v3 =	vand.u32 $0x7, v3;
	v4 =	vand.u32 $0xFFFFFFF0, v49  }
0x212: {  	v3 =	vor.u32 v3, v4  }
0x213: {  	v4 =	vperm.xlane v3, v0;
	_ =	sdelay $0x1  }
0x214: {  	v3 =	vperm.xlane v3, v2;
	v4 =	vadd.s32 v1, v4;
	_ =	sdelay $0x1  }
0x215: {  	v3 =	vadd.s32 v1, v3;
	_ =	sdelay $0x2  }
0x216: {  	[tilespmem:s26], [sflag:$0x1] =	stream.indirect_vreg.gather [hbm4b:s1+s3], $0x80, v4, vm0, $0xb8;
	[tilespmem:$0x3880] =	vst v63  }
0x217: {  	_ = 	snop  }
0x218: {  	[tilespmem:s28], [sflag:$0x1] =	stream.indirect_vreg.gather [hbm4b:s1+s3], $0x80, v3, vm0, $0xb8;
	[tilespmem:$0x3880] =	vst v63  }
0x219: {  	v3 =	vld [tilespmem:$0x20];
	_ =	sdelay $0x4  }
0x21a: {  	v50 =	vshll.u32 v3, $0x1  }
0x21b: {  	v3 =	vand.u32 $0x7, v3;
	v4 =	vand.u32 $0xFFFFFFF0, v50  }
0x21c: {  	v3 =	vor.u32 v3, v4  }
0x21d: {  	v4 =	vperm.xlane v3, v0;
	_ =	sdelay $0x1  }
0x21e: {  	v3 =	vperm.xlane v3, v2;
	v4 =	vadd.s32 v1, v4;
	_ =	sdelay $0x1  }
0x21f: {  	v3 =	vadd.s32 v1, v3;
	_ =	sdelay $0x2  }
0x220: {  	[tilespmem:s29], [sflag:$0x1] =	stream.indirect_vreg.gather [hbm4b:s1+s3], $0x80, v4, vm0, $0xb8;
	[tilespmem:$0x3880] =	vst v63  }
0x221: {  	_ = 	snop  }
0x222: {  	[tilespmem:s30], [sflag:$0x1] =	stream.indirect_vreg.gather [hbm4b:s1+s3], $0x80, v3, vm0, $0xb8;
	[tilespmem:$0x3880] =	vst v63  }
0x223: {  	v3 =	vld.msk [tilespmem:$0x30], $0xff;
	_ =	sdelay $0x4  }
0x224: {  	v51 =	vshll.u32 v3, $0x1  }
0x225: {  	v3 =	vand.u32 $0x7, v3;
	v4 =	vand.u32 $0xFFFFFFF0, v51  }
0x226: {  	v3 =	vor.u32 v3, v4  }
0x227: {  	v3 =	vperm.xlane v3, v0;
	_ =	sdelay $0x1  }
0x228: {  	v3 =	vadd.s32 v1, v3;
	_ =	sdelay $0x4  }
0x229: {  	[tilespmem:s31], [sflag:$0x1] =	stream.indirect_vreg.gather [hbm4b:s1+s3], $0x80, v3, vm0, $0xb8;
	[tilespmem:$0x3880] =	vst v63  }
0x22a: {  	_ =	swait.ge [sflag:s2], $0x3800  }
0x22b: {  	[sflag:s2] =	ssyncset.done $0x0  }
0x22c: {  	[sflag:s2] =	ssyncadd.s32 $0xFFFFC800  }
0x22d: {  	[hbm4b:s15+s3] =	stream.linear.scatter [tilespmem:s24], [sflag:$0x2], $0x3800, $0x38;
	[tilespmem:$0x3880] =	vst v63  }
0x22e: {  	_ =	swait.ge [sflag:s23], $0x3800  }
0x22f: {  	[sflag:s23] =	ssyncset.done $0x0  }
0x230: {  	[sflag:s23] =	ssyncadd.s32 $0xFFFFC800  }
0x231: {  	[tilespmem:s3], [sflag:$0x2] =	stream.linear.gather [hbm4b:s16+s3], $0x38, $0x38;
	[tilespmem:$0x3880] =	vst v63  }
0x232: {  	_ =	swait.ge [sflag:s23], $0x38  }
0x233: {  	[sflag:s23] =	ssyncset.done $0x0  }
0x234: {  	[sflag:s23] =	ssyncadd.s32 $0xFFFFFFC8  }
0x235: {  	v3 =	vld [tilespmem:$0x0];
	_ =	sdelay $0x4  }
0x236: {  	v52 =	vshll.u32 v3, $0x1  }
0x237: {  	v3 =	vand.u32 $0x7, v3;
	v4 =	vand.u32 $0xFFFFFFF0, v52  }
0x238: {  	v3 =	vor.u32 v3, v4  }
0x239: {  	v4 =	vperm.xlane v3, v0;
	_ =	sdelay $0x1  }
0x23a: {  	v3 =	vperm.xlane v3, v2;
	v4 =	vadd.s32 v1, v4;
	_ =	sdelay $0x1  }
0x23b: {  	v3 =	vadd.s32 v1, v3;
	_ =	sdelay $0x2  }
0x23c: {  	[tilespmem:s24], [sflag:$0x1] =	stream.indirect_vreg.gather [hbm4b:s1+s3], $0x80, v4, vm0, $0xb8;
	[tilespmem:$0x3880] =	vst v63  }
0x23d: {  	_ = 	snop  }
0x23e: {  	[tilespmem:s25], [sflag:$0x1] =	stream.indirect_vreg.gather [hbm4b:s1+s3], $0x80, v3, vm0, $0xb8;
	[tilespmem:$0x3880] =	vst v63  }
0x23f: {  	v3 =	vld [tilespmem:$0x10];
	_ =	sdelay $0x4  }
0x240: {  	v53 =	vshll.u32 v3, $0x1  }
0x241: {  	v3 =	vand.u32 $0x7, v3;
	v4 =	vand.u32 $0xFFFFFFF0, v53  }
0x242: {  	v3 =	vor.u32 v3, v4  }
0x243: {  	v4 =	vperm.xlane v3, v0;
	_ =	sdelay $0x1  }
0x244: {  	v3 =	vperm.xlane v3, v2;
	v4 =	vadd.s32 v1, v4;
	_ =	sdelay $0x1  }
0x245: {  	v3 =	vadd.s32 v1, v3;
	_ =	sdelay $0x2  }
0x246: {  	[tilespmem:s26], [sflag:$0x1] =	stream.indirect_vreg.gather [hbm4b:s1+s3], $0x80, v4, vm0, $0xb8;
	[tilespmem:$0x3880] =	vst v63  }
0x247: {  	_ = 	snop  }
0x248: {  	[tilespmem:s28], [sflag:$0x1] =	stream.indirect_vreg.gather [hbm4b:s1+s3], $0x80, v3, vm0, $0xb8;
	[tilespmem:$0x3880] =	vst v63  }
0x249: {  	v3 =	vld [tilespmem:$0x20];
	_ =	sdelay $0x4  }
0x24a: {  	v54 =	vshll.u32 v3, $0x1  }
0x24b: {  	v3 =	vand.u32 $0x7, v3;
	v4 =	vand.u32 $0xFFFFFFF0, v54  }
0x24c: {  	v3 =	vor.u32 v3, v4  }
0x24d: {  	v4 =	vperm.xlane v3, v0;
	_ =	sdelay $0x1  }
0x24e: {  	v3 =	vperm.xlane v3, v2;
	v4 =	vadd.s32 v1, v4;
	_ =	sdelay $0x1  }
0x24f: {  	v3 =	vadd.s32 v1, v3;
	_ =	sdelay $0x2  }
0x250: {  	[tilespmem:s29], [sflag:$0x1] =	stream.indirect_vreg.gather [hbm4b:s1+s3], $0x80, v4, vm0, $0xb8;
	[tilespmem:$0x3880] =	vst v63  }
0x251: {  	_ = 	snop  }
0x252: {  	[tilespmem:s30], [sflag:$0x1] =	stream.indirect_vreg.gather [hbm4b:s1+s3], $0x80, v3, vm0, $0xb8;
	[tilespmem:$0x3880] =	vst v63  }
0x253: {  	v3 =	vld.msk [tilespmem:$0x30], $0xff;
	_ =	sdelay $0x4  }
0x254: {  	v55 =	vshll.u32 v3, $0x1  }
0x255: {  	v3 =	vand.u32 $0x7, v3;
	v4 =	vand.u32 $0xFFFFFFF0, v55  }
0x256: {  	v3 =	vor.u32 v3, v4  }
0x257: {  	v3 =	vperm.xlane v3, v0;
	_ =	sdelay $0x1  }
0x258: {  	v3 =	vadd.s32 v1, v3;
	_ =	sdelay $0x4  }
0x259: {  	[tilespmem:s31], [sflag:$0x1] =	stream.indirect_vreg.gather [hbm4b:s1+s3], $0x80, v3, vm0, $0xb8;
	[tilespmem:$0x3880] =	vst v63  }
0x25a: {  	_ =	swait.ge [sflag:s2], $0x3800  }
0x25b: {  	[sflag:s2] =	ssyncset.done $0x0  }
0x25c: {  	[sflag:s2] =	ssyncadd.s32 $0xFFFFC800  }
0x25d: {  	[hbm4b:s17+s3] =	stream.linear.scatter [tilespmem:s24], [sflag:$0x2], $0x3800, $0x38;
	[tilespmem:$0x3880] =	vst v63  }
0x25e: {  	_ =	swait.ge [sflag:s23], $0x3800  }
0x25f: {  	[sflag:s23] =	ssyncset.done $0x0  }
0x260: {  	[sflag:s23] =	ssyncadd.s32 $0xFFFFC800  }
0x261: {  	[tilespmem:s3], [sflag:$0x2] =	stream.linear.gather [hbm4b:s18+s3], $0x38, $0x38;
	[tilespmem:$0x3880] =	vst v63  }
0x262: {  	_ =	swait.ge [sflag:s23], $0x38  }
0x263: {  	[sflag:s23] =	ssyncset.done $0x0  }
0x264: {  	[sflag:s23] =	ssyncadd.s32 $0xFFFFFFC8  }
0x265: {  	v3 =	vld [tilespmem:$0x0];
	_ =	sdelay $0x4  }
0x266: {  	v56 =	vshll.u32 v3, $0x1  }
0x267: {  	v3 =	vand.u32 $0x7, v3;
	v4 =	vand.u32 $0xFFFFFFF0, v56  }
0x268: {  	v3 =	vor.u32 v3, v4  }
0x269: {  	v4 =	vperm.xlane v3, v0;
	_ =	sdelay $0x1  }
0x26a: {  	v3 =	vperm.xlane v3, v2;
	v4 =	vadd.s32 v1, v4;
	_ =	sdelay $0x1  }
0x26b: {  	v3 =	vadd.s32 v1, v3;
	_ =	sdelay $0x2  }
0x26c: {  	[tilespmem:s24], [sflag:$0x1] =	stream.indirect_vreg.gather [hbm4b:s1+s3], $0x80, v4, vm0, $0xb8;
	[tilespmem:$0x3880] =	vst v63  }
0x26d: {  	_ = 	snop  }
0x26e: {  	[tilespmem:s25], [sflag:$0x1] =	stream.indirect_vreg.gather [hbm4b:s1+s3], $0x80, v3, vm0, $0xb8;
	[tilespmem:$0x3880] =	vst v63  }
0x26f: {  	v3 =	vld [tilespmem:$0x10];
	_ =	sdelay $0x4  }
0x270: {  	v57 =	vshll.u32 v3, $0x1  }
0x271: {  	v3 =	vand.u32 $0x7, v3;
	v4 =	vand.u32 $0xFFFFFFF0, v57  }
0x272: {  	v3 =	vor.u32 v3, v4  }
0x273: {  	v4 =	vperm.xlane v3, v0;
	_ =	sdelay $0x1  }
0x274: {  	v3 =	vperm.xlane v3, v2;
	v4 =	vadd.s32 v1, v4;
	_ =	sdelay $0x1  }
0x275: {  	v3 =	vadd.s32 v1, v3;
	_ =	sdelay $0x2  }
0x276: {  	[tilespmem:s26], [sflag:$0x1] =	stream.indirect_vreg.gather [hbm4b:s1+s3], $0x80, v4, vm0, $0xb8;
	[tilespmem:$0x3880] =	vst v63  }
0x277: {  	_ = 	snop  }
0x278: {  	[tilespmem:s28], [sflag:$0x1] =	stream.indirect_vreg.gather [hbm4b:s1+s3], $0x80, v3, vm0, $0xb8;
	[tilespmem:$0x3880] =	vst v63  }
0x279: {  	v3 =	vld [tilespmem:$0x20];
	_ =	sdelay $0x4  }
0x27a: {  	v58 =	vshll.u32 v3, $0x1  }
0x27b: {  	v3 =	vand.u32 $0x7, v3;
	v4 =	vand.u32 $0xFFFFFFF0, v58  }
0x27c: {  	v3 =	vor.u32 v3, v4  }
0x27d: {  	v4 =	vperm.xlane v3, v0;
	_ =	sdelay $0x1  }
0x27e: {  	v3 =	vperm.xlane v3, v2;
	v4 =	vadd.s32 v1, v4;
	_ =	sdelay $0x1  }
0x27f: {  	v3 =	vadd.s32 v1, v3;
	_ =	sdelay $0x2  }
0x280: {  	[tilespmem:s29], [sflag:$0x1] =	stream.indirect_vreg.gather [hbm4b:s1+s3], $0x80, v4, vm0, $0xb8;
	[tilespmem:$0x3880] =	vst v63  }
0x281: {  	_ = 	snop  }
0x282: {  	[tilespmem:s30], [sflag:$0x1] =	stream.indirect_vreg.gather [hbm4b:s1+s3], $0x80, v3, vm0, $0xb8;
	[tilespmem:$0x3880] =	vst v63  }
0x283: {  	v3 =	vld.msk [tilespmem:$0x30], $0xff;
	_ =	sdelay $0x4  }
0x284: {  	v59 =	vshll.u32 v3, $0x1  }
0x285: {  	v3 =	vand.u32 $0x7, v3;
	v4 =	vand.u32 $0xFFFFFFF0, v59  }
0x286: {  	v3 =	vor.u32 v3, v4  }
0x287: {  	v3 =	vperm.xlane v3, v0;
	_ =	sdelay $0x1  }
0x288: {  	v3 =	vadd.s32 v1, v3;
	_ =	sdelay $0x4  }
0x289: {  	[tilespmem:s31], [sflag:$0x1] =	stream.indirect_vreg.gather [hbm4b:s1+s3], $0x80, v3, vm0, $0xb8;
	[tilespmem:$0x3880] =	vst v63  }
0x28a: {  	_ =	swait.ge [sflag:s2], $0x3800  }
0x28b: {  	[sflag:s2] =	ssyncset.done $0x0  }
0x28c: {  	[sflag:s2] =	ssyncadd.s32 $0xFFFFC800  }
0x28d: {  	[hbm4b:s19+s3] =	stream.linear.scatter [tilespmem:s24], [sflag:$0x2], $0x3800, $0x38;
	[tilespmem:$0x3880] =	vst v63  }
0x28e: {  	_ =	swait.ge [sflag:s23], $0x3800  }
0x28f: {  	[sflag:s23] =	ssyncset.done $0x0  }
0x290: {  	[sflag:s23] =	ssyncadd.s32 $0xFFFFC800  }
0x291: {  	[tilespmem:s3], [sflag:$0x2] =	stream.linear.gather [hbm4b:s20+s3], $0x38, $0x38;
	[tilespmem:$0x3880] =	vst v63  }
0x292: {  	_ =	swait.ge [sflag:s23], $0x38  }
0x293: {  	[sflag:s23] =	ssyncset.done $0x0  }
0x294: {  	[sflag:s23] =	ssyncadd.s32 $0xFFFFFFC8  }
0x295: {  	v3 =	vld [tilespmem:$0x0];
	_ =	sdelay $0x4  }
0x296: {  	v60 =	vshll.u32 v3, $0x1  }
0x297: {  	v3 =	vand.u32 $0x7, v3;
	v4 =	vand.u32 $0xFFFFFFF0, v60  }
0x298: {  	v3 =	vor.u32 v3, v4  }
0x299: {  	v4 =	vperm.xlane v3, v0;
	_ =	sdelay $0x1  }
0x29a: {  	v3 =	vperm.xlane v3, v2;
	v4 =	vadd.s32 v1, v4;
	_ =	sdelay $0x1  }
0x29b: {  	v3 =	vadd.s32 v1, v3;
	_ =	sdelay $0x2  }
0x29c: {  	[tilespmem:s24], [sflag:$0x1] =	stream.indirect_vreg.gather [hbm4b:s1+s3], $0x80, v4, vm0, $0xb8;
	[tilespmem:$0x3880] =	vst v63  }
0x29d: {  	_ = 	snop  }
0x29e: {  	[tilespmem:s25], [sflag:$0x1] =	stream.indirect_vreg.gather [hbm4b:s1+s3], $0x80, v3, vm0, $0xb8;
	[tilespmem:$0x3880] =	vst v63  }
0x29f: {  	v3 =	vld [tilespmem:$0x10];
	_ =	sdelay $0x4  }
0x2a0: {  	v61 =	vshll.u32 v3, $0x1  }
0x2a1: {  	v3 =	vand.u32 $0x7, v3;
	v4 =	vand.u32 $0xFFFFFFF0, v61  }
0x2a2: {  	v3 =	vor.u32 v3, v4  }
0x2a3: {  	v4 =	vperm.xlane v3, v0;
	_ =	sdelay $0x1  }
0x2a4: {  	v3 =	vperm.xlane v3, v2;
	v4 =	vadd.s32 v1, v4;
	_ =	sdelay $0x1  }
0x2a5: {  	v3 =	vadd.s32 v1, v3;
	_ =	sdelay $0x2  }
0x2a6: {  	[tilespmem:s26], [sflag:$0x1] =	stream.indirect_vreg.gather [hbm4b:s1+s3], $0x80, v4, vm0, $0xb8;
	[tilespmem:$0x3880] =	vst v63  }
0x2a7: {  	_ = 	snop  }
0x2a8: {  	[tilespmem:s28], [sflag:$0x1] =	stream.indirect_vreg.gather [hbm4b:s1+s3], $0x80, v3, vm0, $0xb8;
	[tilespmem:$0x3880] =	vst v63  }
0x2a9: {  	v3 =	vld [tilespmem:$0x20];
	_ =	sdelay $0x4  }
0x2aa: {  	v62 =	vshll.u32 v3, $0x1  }
0x2ab: {  	v3 =	vand.u32 $0x7, v3;
	v4 =	vand.u32 $0xFFFFFFF0, v62  }
0x2ac: {  	v3 =	vor.u32 v3, v4  }
0x2ad: {  	v4 =	vperm.xlane v3, v0;
	_ =	sdelay $0x1  }
0x2ae: {  	v3 =	vperm.xlane v3, v2;
	v4 =	vadd.s32 v1, v4;
	_ =	sdelay $0x1  }
0x2af: {  	v3 =	vadd.s32 v1, v3;
	_ =	sdelay $0x2  }
0x2b0: {  	[tilespmem:s29], [sflag:$0x1] =	stream.indirect_vreg.gather [hbm4b:s1+s3], $0x80, v4, vm0, $0xb8;
	[tilespmem:$0x3880] =	vst v63  }
0x2b1: {  	_ = 	snop  }
0x2b2: {  	[tilespmem:s30], [sflag:$0x1] =	stream.indirect_vreg.gather [hbm4b:s1+s3], $0x80, v3, vm0, $0xb8;
	[tilespmem:$0x3880] =	vst v63  }
0x2b3: {  	v3 =	vld.msk [tilespmem:$0x30], $0xff;
	_ =	sdelay $0x4  }
0x2b4: {  	v63 =	vshll.u32 v3, $0x1  }
0x2b5: {  	v3 =	vand.u32 $0x7, v3;
	v4 =	vand.u32 $0xFFFFFFF0, v63  }
0x2b6: {  	v3 =	vor.u32 v3, v4  }
0x2b7: {  	v3 =	vperm.xlane v3, v0;
	_ =	sdelay $0x1  }
0x2b8: {  	v3 =	vadd.s32 v1, v3;
	_ =	sdelay $0x4  }
0x2b9: {  	[tilespmem:s31], [sflag:$0x1] =	stream.indirect_vreg.gather [hbm4b:s1+s3], $0x80, v3, vm0, $0xb8;
	[tilespmem:$0x3880] =	vst v63  }
0x2ba: {  	_ =	swait.ge [sflag:s2], $0x3800  }
0x2bb: {  	p0 =	sne.s32 s22, $0x1;
	[sflag:s2] =	ssyncset.done $0x0  }
.Ltmp0:
0x2bc: {  	[sflag:s2] =	ssyncadd.s32 $0xFFFFC800;
	(pc) =	sbr.rel @p0 .LBB2_1-.Ltmp0, $4  }
0x2bd: {  	[hbm4b:s21+s3] =	stream.linear.scatter [tilespmem:s24], [sflag:$0x2], $0x3800, $0x38;
	[tilespmem:$0x3880] =	vst v63  }
0x2be: {  	_ =	swait.ge [sflag:s23], $0x3800  }
0x2bf: {  	[sflag:s23] =	ssyncset.done $0x0  }
0x2c0: {  	s22 =	sadd.s32 $0xFFFFFFFF, s22;
	[sflag:s23] =	ssyncadd.s32 $0xFFFFC800  }
0x2c1: {  	_ =	sfence.sel $0x180000  }
0x2c2: {  	[bflag:$0x0] =	sbarrier.arrive $0xFFFF  }
0x2c3: {  	_ =	strace $0x90000047  }
0x2c4: {  	s0 =	stileid.u32;
	[bflag:$0x2] =	sbarrier.arrive $0xFFFF  }
0x2c5: {  	p0 =	sne.s32 s0, $0x0;
	s0 =	rddreg [dreg:$0x5]  }
0x2c6: {  	s0 =	sadd.s32 @!p0 $0x100000, s0  }
0x2c7: {  	[sflag:s0] =	ssyncadd.tile.s32 @!p0 $0x1;
	_ =	shalt  }
.Lfunc_end2:
_tile_overlayer_lowered:
.L_overlay_start_2:
0x2c8: {  	(tag) =	ssettag $0x2  }
0x2c9: {  	s0 =	rddreg [dreg:$0x0];
	s2 =	stileid.u32  }
0x2ca: {  	s1 =	rddreg [dreg:$0x1];
	p0 =	sne.s32 s2, $0x0  }
0x2cb: {  	s3 =	rddreg [dreg:$0x2];
	[bflag:$0x3] =	sbarrier.arrive $0xFFFF;
	s2 =	simm.s32 @!p0 $0x1C02  }
0x2cc: {  	[timem:s3], [sflag:s2] =	dma.local @!p0 [hbm:s0], s1  }
0x2cd: {  	s0 =	simm.s32 @!p0 $0x2  }
0x2ce: {  	_ =	swait.ge @!p0 [sflag:s0], s1  }
0x2cf: {  	s1 =	ssub.s32 @!p0 $0x0, s1;
	[sflag:s0] =	ssyncset.done @!p0 $0x0  }
0x2d0: {  	[sflag:s0] =	ssyncadd.s32 @!p0 s1  }
0x2d1: {  	[bflag:$0x3] =	sbarrier.arrive $0xFFFF  }
0x2d2: {  	_ =	shalt  }

</sc_bundles>
